<compile_context>
chip_gen: v7x
topology: tpu7x:2x2x1
jax: 0.10.2.dev20260603
libtpu: 0.0.44.dev20260713+nightly
codegen_flags: <defaults>
</compile_context>

<pallas_src>
import math

import jax
import jax.numpy as jnp
from jax import lax
from jax.experimental import pallas as pl
from jax.experimental.pallas import tpu as pltpu
from jax.experimental.pallas import tpu_sc as plsc

D = 32
SCALE = math.sqrt(32.0)
PITCH3 = 513

NW = 32
CHUNK = 128
NCH = 8
TASK_B = 512
NSTR = TASK_B // CHUNK


def _emb_body(tok_hbm, table_hbm, out_hbm, idx_all, buf_a, buf_b, buf3,
              buf2_a, buf2_b, gsem_a, gsem_b, osem_a, osem_b, *, n_t, n_b):
    ntasks = n_t * NCH
    per_w = ntasks // NW
    wid = lax.axis_index("s") * 2 + lax.axis_index("c")
    k0 = wid * per_w
    t_words = n_b * D

    pltpu.sync_copy(tok_hbm.at[pl.ds(k0 * NSTR, per_w * NSTR)], idx_all)

    iota = lax.iota(jnp.int32, 16)

    def fire(kl, buf, gsem):
        for ci in range(NSTR):
            pltpu.async_copy(
                table_hbm.at[idx_all.at[kl * NSTR + ci]],
                buf.at[pl.ds(ci * CHUNK, CHUNK)],
                gsem,
            )

    def drain_gather(buf, gsem):
        pltpu.make_async_copy(
            table_hbm.at[pl.ds(0, TASK_B)], buf, gsem
        ).wait()

    def drain_stores(buf2, osem):
        pltpu.make_async_copy(
            out_hbm.at[0, pl.ds(0, TASK_B * D)], buf2, osem
        ).wait()

    def transpose_scale(buf, buf3, buf2):
        for dh in range(2):
            pb = (dh * 16 + iota) * PITCH3

            @plsc.parallel_loop(0, TASK_B, unroll=8)
            def _(bl, pb=pb, dh=dh):
                v = buf[bl, pl.ds(dh * 16, 16)]
                plsc.store_scatter(buf3, [pb + bl], v * SCALE)

        @plsc.parallel_loop(0, D * (TASK_B // 16), unroll=8)
        def _(i):
            d = i >> 5
            lg = i & 31
            v = buf3[pl.ds(d * PITCH3 + lg * 16, 16)]
            dst = ((d >> 3) * 4096 + (lg >> 3) * 1024
                   + (d & 7) * 128 + (lg & 7) * 16)
            buf2[pl.ds(dst, 16)] = v

    def stores(kl, buf2, osem):
        k = k0 + kl
        t = k // NCH
        c8 = k % NCH
        for r in range(4):
            pltpu.async_copy(
                buf2.at[pl.ds(r * (NSTR * 1024), NSTR * 1024)],
                out_hbm.at[
                    t, pl.ds(r * (t_words // 4) + c8 * (NSTR * 1024),
                             NSTR * 1024)
                ],
                osem,
            )

    npairs = per_w // 2
    fire(0, buf_a, gsem_a)

    def pair(p, _):
        kl0 = 2 * p
        fire(kl0 + 1, buf_b, gsem_b)
        drain_gather(buf_a, gsem_a)

        @pl.when(p > 0)
        def _():
            drain_stores(buf2_a, osem_a)

        transpose_scale(buf_a, buf3, buf2_a)
        stores(kl0, buf2_a, osem_a)

        @pl.when(p + 1 < npairs)
        def _():
            fire(kl0 + 2, buf_a, gsem_a)

        drain_gather(buf_b, gsem_b)

        @pl.when(p > 0)
        def _():
            drain_stores(buf2_b, osem_b)

        transpose_scale(buf_b, buf3, buf2_b)
        stores(kl0 + 1, buf2_b, osem_b)
        return 0

    lax.fori_loop(0, npairs, pair, 0)
    drain_stores(buf2_a, osem_a)
    drain_stores(buf2_b, osem_b)


def kernel(tokens, table):
    n_b, n_t = tokens.shape
    ntasks = n_t * NCH
    per_w = ntasks // NW
    tok2 = tokens.T.reshape(ntasks * NSTR, CHUNK).astype(jnp.int32)
    t_words = n_b * D

    mesh = plsc.VectorSubcoreMesh(core_axis_name="c", subcore_axis_name="s")
    run = pl.kernel(
        lambda *a: _emb_body(*a, n_t=n_t, n_b=n_b),
        out_type=jax.ShapeDtypeStruct((n_t, t_words), jnp.float32),
        mesh=mesh,
        scratch_types=[
            pltpu.VMEM((per_w * NSTR, CHUNK), jnp.int32),
            pltpu.VMEM((TASK_B, D), jnp.float32),
            pltpu.VMEM((TASK_B, D), jnp.float32),
            pltpu.VMEM((D * PITCH3,), jnp.float32),
            pltpu.VMEM((TASK_B * D,), jnp.float32),
            pltpu.VMEM((TASK_B * D,), jnp.float32),
            pltpu.SemaphoreType.DMA,
            pltpu.SemaphoreType.DMA,
            pltpu.SemaphoreType.DMA,
            pltpu.SemaphoreType.DMA,
        ],
        compiler_params=pltpu.CompilerParams(
            use_tc_tiling_on_sc=False, needs_layout_passes=False
        ),
    )
    out2 = run(tok2, table)
    out5 = out2.reshape(n_t, 4, n_b // CHUNK, 8, CHUNK)
    return out5.transpose(2, 4, 0, 1, 3).reshape(n_b, n_t, D)

# --- scband reference (transcript-rebuilt; emitter-appended) ---
"""Pipeline reference for scband-token-embedding-32323923870041 (READ-ONLY COPY).

The authoritative reference and input builder live on the scoring server;
editing this copy changes nothing except your own understanding.
"""

import jax, jax.numpy as jnp
import numpy as np
import math

VOCAB = 1000000
EMB = 32

def setup_inputs(seed: int = 0) -> dict:
    key = jax.random.key(seed)
    k1, k2 = jax.random.split(key)
    tokens = jax.random.randint(k1, (4096, 200), 0, VOCAB, dtype=jnp.int64 if jax.config.jax_enable_x64 else jnp.int32)
    table = jax.random.normal(k2, (VOCAB, EMB), dtype=jnp.float32) * 0.02
    return {"tokens": tokens, "table": table}

def reference(tokens, table):
    # TokenEmbedding.forward: embedding(tokens.long()) * sqrt(emb_size)
    emb = jnp.take(table, tokens, axis=0)
    return emb * math.sqrt(EMB)

if __name__ == "__main__":
    import jax
    _d = setup_inputs()
    print(jax.jit(kernel)(*tuple(_d.values())))

</pallas_src>

<mosaic_0001>
#map = affine_map<(d0, d1) -> (0, 0)>
module attributes {stable_mosaic.version = 14 : i64} {
  func.func @_lambda_(%arg0: i32, %arg1: i32, %arg2: memref<6400x128xi32, #tpu.memory_space<hbm>>, %arg3: memref<1000000x32xf32, #tpu.memory_space<hbm>>, %arg4: memref<200x131072xf32, #tpu.memory_space<hbm>>, %arg5: memref<200x128xi32, #tpu.memory_space<vmem>>, %arg6: memref<512x32xf32, #tpu.memory_space<vmem>>, %arg7: memref<512x32xf32, #tpu.memory_space<vmem>>, %arg8: memref<16416xf32, #tpu.memory_space<vmem>>, %arg9: memref<16384xf32, #tpu.memory_space<vmem>>, %arg10: memref<16384xf32, #tpu.memory_space<vmem>>, %arg11: memref<!tpu.dma_semaphore, #tpu.memory_space<semaphore_mem>>, %arg12: memref<!tpu.dma_semaphore, #tpu.memory_space<semaphore_mem>>, %arg13: memref<!tpu.dma_semaphore, #tpu.memory_space<semaphore_mem>>, %arg14: memref<!tpu.dma_semaphore, #tpu.memory_space<semaphore_mem>>) attributes {dimension_semantics = [#tpu.dimension_semantics<core_parallel>, #tpu.dimension_semantics<subcore_parallel>], iteration_bounds = array<i64: 2, 16>, scalar_prefetch = 0 : i64, scratch_operands = 10 : i64, tpu.core_type = #tpu.core_type<sc_vector_subcore>, window_params = [{transform_indices = #map}, {transform_indices = #map}, {transform_indices = #map}]} {
    %mul3A = arith.constant 2 : i32
    %mul3A_0 = arith.muli %arg1, %mul3A : i32
    %add3A = arith.addi %mul3A_0, %arg0 : i32
    %mul3A_1 = arith.constant 50 : i32
    %mul3A_2 = arith.muli %add3A, %mul3A_1 : i32
    %mul3A_3 = arith.constant 4 : i32
    %mul3A_4 = arith.muli %mul3A_2, %mul3A_3 : i32
    "tpu.region"() ({
      %run_scoped3A = tpu.sem_alloc : memref<!tpu.dma_semaphore, #tpu.memory_space<semaphore_mem>>
      %dma_start3A_63 = arith.constant 0 : i32
      %dma_start3A_64 = tpu.memref_slice %arg2[%mul3A_4, %dma_start3A_63] : memref<6400x128xi32, #tpu.memory_space<hbm>> -> memref<200x128xi32, #tpu.memory_space<hbm>>
      %dma_start3A_65 = arith.constant 0 : i32
      %dma_start3A_66 = tpu.memref_slice %arg2[%mul3A_4, %dma_start3A_65] : memref<6400x128xi32, #tpu.memory_space<hbm>> -> memref<200x128xi32, #tpu.memory_space<hbm>>
      tpu.enqueue_dma source(%dma_start3A_66 : memref<200x128xi32, #tpu.memory_space<hbm>>) target(%arg5 : memref<200x128xi32, #tpu.memory_space<vmem>>) target_semaphore(%run_scoped3A : memref<!tpu.dma_semaphore, #tpu.memory_space<semaphore_mem>>)
      %dma_wait3A_67 = arith.constant 0 : i32
      %dma_wait3A_68 = tpu.memref_slice %arg2[%mul3A_4, %dma_wait3A_67] : memref<6400x128xi32, #tpu.memory_space<hbm>> -> memref<200x128xi32, #tpu.memory_space<hbm>>
      %dma_wait3A_69 = arith.constant 0 : i32
      %dma_wait3A_70 = tpu.memref_slice %arg2[%mul3A_4, %dma_wait3A_69] : memref<6400x128xi32, #tpu.memory_space<hbm>> -> memref<200x128xi32, #tpu.memory_space<hbm>>
      tpu.wait_dma2 semaphore(%run_scoped3A : memref<!tpu.dma_semaphore, #tpu.memory_space<semaphore_mem>>) src(%dma_wait3A_70 : memref<200x128xi32, #tpu.memory_space<hbm>>) dst(%arg5 : memref<200x128xi32, #tpu.memory_space<vmem>>)
      tpu.yield
    }) : () -> ()
    %iota3A = tpu.iota {dimensions = array<i32: 0>} : vector<16xi32>
    %dma_start3A = arith.constant 0 : i32
    %dma_start3A_5 = arith.constant 0 : i32
    %dma_start3A_6 = arith.constant 0 : i32
    %dma_start3A_7 = tpu.memref_slice %arg6[%dma_start3A_5, %dma_start3A_6] : memref<512x32xf32, #tpu.memory_space<vmem>> -> memref<128x32xf32, #tpu.memory_space<vmem>>
    %dma_start3A_8 = arith.constant 0 : i32
    %dma_start3A_9 = tpu.memref_slice %arg5[%dma_start3A, %dma_start3A_8] : memref<200x128xi32, #tpu.memory_space<vmem>> -> memref<1x128xi32, #tpu.memory_space<vmem>>
    %dma_start3A_10 = tpu.memref_squeeze %dma_start3A_9 : memref<1x128xi32, #tpu.memory_space<vmem>> -> memref<128xi32, #tpu.memory_space<vmem>>
    %dma_start3A_11 = arith.constant 0 : i32
    %dma_start3A_12 = arith.constant 0 : i32
    %dma_start3A_13 = tpu.memref_slice %arg3[%dma_start3A_11, %dma_start3A_12] : memref<1000000x32xf32, #tpu.memory_space<hbm>> -> memref<1000000x32xf32, #tpu.memory_space<hbm>>
    tpu.enqueue_indirect_dma source(%dma_start3A_13 : memref<1000000x32xf32, #tpu.memory_space<hbm>>) target(%dma_start3A_7 : memref<128x32xf32, #tpu.memory_space<vmem>>) offsets(%dma_start3A_10 : memref<128xi32, #tpu.memory_space<vmem>>) semaphore(%arg11 : memref<!tpu.dma_semaphore, #tpu.memory_space<semaphore_mem>>)
    %dma_start3A_14 = arith.constant 1 : i32
    %dma_start3A_15 = arith.constant 128 : i32
    %dma_start3A_16 = arith.constant 0 : i32
    %dma_start3A_17 = tpu.memref_slice %arg6[%dma_start3A_15, %dma_start3A_16] : memref<512x32xf32, #tpu.memory_space<vmem>> -> memref<128x32xf32, #tpu.memory_space<vmem>>
    %dma_start3A_18 = arith.constant 0 : i32
    %dma_start3A_19 = tpu.memref_slice %arg5[%dma_start3A_14, %dma_start3A_18] : memref<200x128xi32, #tpu.memory_space<vmem>> -> memref<1x128xi32, #tpu.memory_space<vmem>>
    %dma_start3A_20 = tpu.memref_squeeze %dma_start3A_19 : memref<1x128xi32, #tpu.memory_space<vmem>> -> memref<128xi32, #tpu.memory_space<vmem>>
    %dma_start3A_21 = arith.constant 0 : i32
    %dma_start3A_22 = arith.constant 0 : i32
    %dma_start3A_23 = tpu.memref_slice %arg3[%dma_start3A_21, %dma_start3A_22] : memref<1000000x32xf32, #tpu.memory_space<hbm>> -> memref<1000000x32xf32, #tpu.memory_space<hbm>>
    tpu.enqueue_indirect_dma source(%dma_start3A_23 : memref<1000000x32xf32, #tpu.memory_space<hbm>>) target(%dma_start3A_17 : memref<128x32xf32, #tpu.memory_space<vmem>>) offsets(%dma_start3A_20 : memref<128xi32, #tpu.memory_space<vmem>>) semaphore(%arg11 : memref<!tpu.dma_semaphore, #tpu.memory_space<semaphore_mem>>)
    %dma_start3A_24 = arith.constant 2 : i32
    %dma_start3A_25 = arith.constant 256 : i32
    %dma_start3A_26 = arith.constant 0 : i32
    %dma_start3A_27 = tpu.memref_slice %arg6[%dma_start3A_25, %dma_start3A_26] : memref<512x32xf32, #tpu.memory_space<vmem>> -> memref<128x32xf32, #tpu.memory_space<vmem>>
    %dma_start3A_28 = arith.constant 0 : i32
    %dma_start3A_29 = tpu.memref_slice %arg5[%dma_start3A_24, %dma_start3A_28] : memref<200x128xi32, #tpu.memory_space<vmem>> -> memref<1x128xi32, #tpu.memory_space<vmem>>
    %dma_start3A_30 = tpu.memref_squeeze %dma_start3A_29 : memref<1x128xi32, #tpu.memory_space<vmem>> -> memref<128xi32, #tpu.memory_space<vmem>>
    %dma_start3A_31 = arith.constant 0 : i32
    %dma_start3A_32 = arith.constant 0 : i32
    %dma_start3A_33 = tpu.memref_slice %arg3[%dma_start3A_31, %dma_start3A_32] : memref<1000000x32xf32, #tpu.memory_space<hbm>> -> memref<1000000x32xf32, #tpu.memory_space<hbm>>
    tpu.enqueue_indirect_dma source(%dma_start3A_33 : memref<1000000x32xf32, #tpu.memory_space<hbm>>) target(%dma_start3A_27 : memref<128x32xf32, #tpu.memory_space<vmem>>) offsets(%dma_start3A_30 : memref<128xi32, #tpu.memory_space<vmem>>) semaphore(%arg11 : memref<!tpu.dma_semaphore, #tpu.memory_space<semaphore_mem>>)
    %dma_start3A_34 = arith.constant 3 : i32
    %dma_start3A_35 = arith.constant 384 : i32
    %dma_start3A_36 = arith.constant 0 : i32
    %dma_start3A_37 = tpu.memref_slice %arg6[%dma_start3A_35, %dma_start3A_36] : memref<512x32xf32, #tpu.memory_space<vmem>> -> memref<128x32xf32, #tpu.memory_space<vmem>>
    %dma_start3A_38 = arith.constant 0 : i32
    %dma_start3A_39 = tpu.memref_slice %arg5[%dma_start3A_34, %dma_start3A_38] : memref<200x128xi32, #tpu.memory_space<vmem>> -> memref<1x128xi32, #tpu.memory_space<vmem>>
    %dma_start3A_40 = tpu.memref_squeeze %dma_start3A_39 : memref<1x128xi32, #tpu.memory_space<vmem>> -> memref<128xi32, #tpu.memory_space<vmem>>
    %dma_start3A_41 = arith.constant 0 : i32
    %dma_start3A_42 = arith.constant 0 : i32
    %dma_start3A_43 = tpu.memref_slice %arg3[%dma_start3A_41, %dma_start3A_42] : memref<1000000x32xf32, #tpu.memory_space<hbm>> -> memref<1000000x32xf32, #tpu.memory_space<hbm>>
    tpu.enqueue_indirect_dma source(%dma_start3A_43 : memref<1000000x32xf32, #tpu.memory_space<hbm>>) target(%dma_start3A_37 : memref<128x32xf32, #tpu.memory_space<vmem>>) offsets(%dma_start3A_40 : memref<128xi32, #tpu.memory_space<vmem>>) semaphore(%arg11 : memref<!tpu.dma_semaphore, #tpu.memory_space<semaphore_mem>>)
    %scan3A = arith.constant 0 : i32
    %scan3A_44 = arith.constant 0 : i32
    %scan3A_45 = arith.constant 25 : i32
    %scan3A_46 = arith.addi %scan3A_44, %scan3A_45 : i32
    %scan3A_47 = arith.constant 1 : i32
    %scan3A_48 = scf.for %scan3A_63 = %scan3A_44 to %scan3A_46 step %scan3A_47 iter_args(%scan3A_64 = %scan3A) -> (i32)  : i32 {
      %mul3A_65 = arith.constant 2 : i32
      %mul3A_66 = arith.muli %mul3A_65, %scan3A_63 : i32
      %add3A_67 = arith.constant 1 : i32
      %add3A_68 = arith.addi %mul3A_66, %add3A_67 : i32
      %mul3A_69 = arith.constant 4 : i32
      %mul3A_70 = arith.muli %add3A_68, %mul3A_69 : i32
      %add3A_71 = arith.constant 0 : i32
      %add3A_72 = arith.addi %mul3A_70, %add3A_71 : i32
      %dma_start3A_73 = arith.constant 0 : i32
      %dma_start3A_74 = arith.constant 0 : i32
      %dma_start3A_75 = tpu.memref_slice %arg7[%dma_start3A_73, %dma_start3A_74] : memref<512x32xf32, #tpu.memory_space<vmem>> -> memref<128x32xf32, #tpu.memory_space<vmem>>
      %dma_start3A_76 = arith.constant 0 : i32
      %dma_start3A_77 = tpu.memref_slice %arg5[%add3A_72, %dma_start3A_76] : memref<200x128xi32, #tpu.memory_space<vmem>> -> memref<1x128xi32, #tpu.memory_space<vmem>>
      %dma_start3A_78 = tpu.memref_squeeze %dma_start3A_77 : memref<1x128xi32, #tpu.memory_space<vmem>> -> memref<128xi32, #tpu.memory_space<vmem>>
      %dma_start3A_79 = arith.constant 0 : i32
      %dma_start3A_80 = arith.constant 0 : i32
      %dma_start3A_81 = tpu.memref_slice %arg3[%dma_start3A_79, %dma_start3A_80] : memref<1000000x32xf32, #tpu.memory_space<hbm>> -> memref<1000000x32xf32, #tpu.memory_space<hbm>>
      tpu.enqueue_indirect_dma source(%dma_start3A_81 : memref<1000000x32xf32, #tpu.memory_space<hbm>>) target(%dma_start3A_75 : memref<128x32xf32, #tpu.memory_space<vmem>>) offsets(%dma_start3A_78 : memref<128xi32, #tpu.memory_space<vmem>>) semaphore(%arg12 : memref<!tpu.dma_semaphore, #tpu.memory_space<semaphore_mem>>)
      %mul3A_82 = arith.constant 4 : i32
      %mul3A_83 = arith.muli %add3A_68, %mul3A_82 : i32
      %add3A_84 = arith.constant 1 : i32
      %add3A_85 = arith.addi %mul3A_83, %add3A_84 : i32
      %dma_start3A_86 = arith.constant 128 : i32
      %dma_start3A_87 = arith.constant 0 : i32
      %dma_start3A_88 = tpu.memref_slice %arg7[%dma_start3A_86, %dma_start3A_87] : memref<512x32xf32, #tpu.memory_space<vmem>> -> memref<128x32xf32, #tpu.memory_space<vmem>>
      %dma_start3A_89 = arith.constant 0 : i32
      %dma_start3A_90 = tpu.memref_slice %arg5[%add3A_85, %dma_start3A_89] : memref<200x128xi32, #tpu.memory_space<vmem>> -> memref<1x128xi32, #tpu.memory_space<vmem>>
      %dma_start3A_91 = tpu.memref_squeeze %dma_start3A_90 : memref<1x128xi32, #tpu.memory_space<vmem>> -> memref<128xi32, #tpu.memory_space<vmem>>
      %dma_start3A_92 = arith.constant 0 : i32
      %dma_start3A_93 = arith.constant 0 : i32
      %dma_start3A_94 = tpu.memref_slice %arg3[%dma_start3A_92, %dma_start3A_93] : memref<1000000x32xf32, #tpu.memory_space<hbm>> -> memref<1000000x32xf32, #tpu.memory_space<hbm>>
      tpu.enqueue_indirect_dma source(%dma_start3A_94 : memref<1000000x32xf32, #tpu.memory_space<hbm>>) target(%dma_start3A_88 : memref<128x32xf32, #tpu.memory_space<vmem>>) offsets(%dma_start3A_91 : memref<128xi32, #tpu.memory_space<vmem>>) semaphore(%arg12 : memref<!tpu.dma_semaphore, #tpu.memory_space<semaphore_mem>>)
      %mul3A_95 = arith.constant 4 : i32
      %mul3A_96 = arith.muli %add3A_68, %mul3A_95 : i32
      %add3A_97 = arith.constant 2 : i32
      %add3A_98 = arith.addi %mul3A_96, %add3A_97 : i32
      %dma_start3A_99 = arith.constant 256 : i32
      %dma_start3A_100 = arith.constant 0 : i32
      %dma_start3A_101 = tpu.memref_slice %arg7[%dma_start3A_99, %dma_start3A_100] : memref<512x32xf32, #tpu.memory_space<vmem>> -> memref<128x32xf32, #tpu.memory_space<vmem>>
      %dma_start3A_102 = arith.constant 0 : i32
      %dma_start3A_103 = tpu.memref_slice %arg5[%add3A_98, %dma_start3A_102] : memref<200x128xi32, #tpu.memory_space<vmem>> -> memref<1x128xi32, #tpu.memory_space<vmem>>
      %dma_start3A_104 = tpu.memref_squeeze %dma_start3A_103 : memref<1x128xi32, #tpu.memory_space<vmem>> -> memref<128xi32, #tpu.memory_space<vmem>>
      %dma_start3A_105 = arith.constant 0 : i32
      %dma_start3A_106 = arith.constant 0 : i32
      %dma_start3A_107 = tpu.memref_slice %arg3[%dma_start3A_105, %dma_start3A_106] : memref<1000000x32xf32, #tpu.memory_space<hbm>> -> memref<1000000x32xf32, #tpu.memory_space<hbm>>
      tpu.enqueue_indirect_dma source(%dma_start3A_107 : memref<1000000x32xf32, #tpu.memory_space<hbm>>) target(%dma_start3A_101 : memref<128x32xf32, #tpu.memory_space<vmem>>) offsets(%dma_start3A_104 : memref<128xi32, #tpu.memory_space<vmem>>) semaphore(%arg12 : memref<!tpu.dma_semaphore, #tpu.memory_space<semaphore_mem>>)
      %mul3A_108 = arith.constant 4 : i32
      %mul3A_109 = arith.muli %add3A_68, %mul3A_108 : i32
      %add3A_110 = arith.constant 3 : i32
      %add3A_111 = arith.addi %mul3A_109, %add3A_110 : i32
      %dma_start3A_112 = arith.constant 384 : i32
      %dma_start3A_113 = arith.constant 0 : i32
      %dma_start3A_114 = tpu.memref_slice %arg7[%dma_start3A_112, %dma_start3A_113] : memref<512x32xf32, #tpu.memory_space<vmem>> -> memref<128x32xf32, #tpu.memory_space<vmem>>
      %dma_start3A_115 = arith.constant 0 : i32
      %dma_start3A_116 = tpu.memref_slice %arg5[%add3A_111, %dma_start3A_115] : memref<200x128xi32, #tpu.memory_space<vmem>> -> memref<1x128xi32, #tpu.memory_space<vmem>>
      %dma_start3A_117 = tpu.memref_squeeze %dma_start3A_116 : memref<1x128xi32, #tpu.memory_space<vmem>> -> memref<128xi32, #tpu.memory_space<vmem>>
      %dma_start3A_118 = arith.constant 0 : i32
      %dma_start3A_119 = arith.constant 0 : i32
      %dma_start3A_120 = tpu.memref_slice %arg3[%dma_start3A_118, %dma_start3A_119] : memref<1000000x32xf32, #tpu.memory_space<hbm>> -> memref<1000000x32xf32, #tpu.memory_space<hbm>>
      tpu.enqueue_indirect_dma source(%dma_start3A_120 : memref<1000000x32xf32, #tpu.memory_space<hbm>>) target(%dma_start3A_114 : memref<128x32xf32, #tpu.memory_space<vmem>>) offsets(%dma_start3A_117 : memref<128xi32, #tpu.memory_space<vmem>>) semaphore(%arg12 : memref<!tpu.dma_semaphore, #tpu.memory_space<semaphore_mem>>)
      %dma_wait3A_121 = arith.constant 0 : i32
      %dma_wait3A_122 = arith.constant 0 : i32
      %dma_wait3A_123 = tpu.memref_slice %arg3[%dma_wait3A_121, %dma_wait3A_122] : memref<1000000x32xf32, #tpu.memory_space<hbm>> -> memref<512x32xf32, #tpu.memory_space<hbm>>
      %dma_wait3A_124 = arith.constant 0 : i32
      %dma_wait3A_125 = arith.constant 0 : i32
      %dma_wait3A_126 = tpu.memref_slice %arg3[%dma_wait3A_124, %dma_wait3A_125] : memref<1000000x32xf32, #tpu.memory_space<hbm>> -> memref<512x32xf32, #tpu.memory_space<hbm>>
      tpu.wait_dma2 semaphore(%arg11 : memref<!tpu.dma_semaphore, #tpu.memory_space<semaphore_mem>>) src(%dma_wait3A_126 : memref<512x32xf32, #tpu.memory_space<hbm>>) dst(%arg6 : memref<512x32xf32, #tpu.memory_space<vmem>>)
      %gt3A = arith.constant 0 : i32
      %gt3A_127 = arith.cmpi sgt, %scan3A_63, %gt3A : i32
      %convert_element_type3A = arith.extui %gt3A_127 : i1 to i32
      %cond3A = arith.constant 0 : i32
      %cond3A_128 = arith.cmpi ne, %convert_element_type3A, %cond3A : i32
      scf.if %cond3A_128 {
        %dma_wait3A_359 = arith.constant 0 : i32
        %dma_wait3A_360 = arith.constant 0 : i32
        %dma_wait3A_361 = tpu.memref_slice %arg4[%dma_wait3A_359, %dma_wait3A_360] : memref<200x131072xf32, #tpu.memory_space<hbm>> -> memref<1x16384xf32, #tpu.memory_space<hbm>>
        %dma_wait3A_362 = tpu.memref_squeeze %dma_wait3A_361 : memref<1x16384xf32, #tpu.memory_space<hbm>> -> memref<16384xf32, #tpu.memory_space<hbm>>
        %dma_wait3A_363 = arith.constant 0 : i32
        %dma_wait3A_364 = tpu.memref_slice %arg4[%dma_wait3A_359, %dma_wait3A_363] : memref<200x131072xf32, #tpu.memory_space<hbm>> -> memref<1x16384xf32, #tpu.memory_space<hbm>>
        %dma_wait3A_365 = tpu.memref_squeeze %dma_wait3A_364 : memref<1x16384xf32, #tpu.memory_space<hbm>> -> memref<16384xf32, #tpu.memory_space<hbm>>
        tpu.wait_dma2 semaphore(%arg13 : memref<!tpu.dma_semaphore, #tpu.memory_space<semaphore_mem>>) src(%dma_wait3A_365 : memref<16384xf32, #tpu.memory_space<hbm>>) dst(%arg9 : memref<16384xf32, #tpu.memory_space<vmem>>)
      } else {
      }
      %add3A_129 = arith.constant 0 : i32
      %add3A_130 = vector.broadcast %add3A_129 : i32 to vector<16xi32>
      %add3A_131 = arith.addi %add3A_130, %iota3A : vector<16xi32>
      %mul3A_132 = arith.constant 513 : i32
      %mul3A_133 = vector.broadcast %mul3A_132 : i32 to vector<16xi32>
      %mul3A_134 = arith.muli %add3A_131, %mul3A_133 : vector<16xi32>
      %parallel_loop3A = arith.constant 0 : i32
      %parallel_loop3A_135 = arith.constant 512 : i32
      %parallel_loop3A_136 = arith.constant 1 : i32
      scf.for %parallel_loop3A_359 = %parallel_loop3A to %parallel_loop3A_135 step %parallel_loop3A_136  : i32 {
        %parallel_loop3A_360 = arith.index_cast %parallel_loop3A_359 : i32 to index
        %parallel_loop3A_361 = arith.constant 0 : index
        %parallel_loop3A_362 = tpu.vector_load %arg6[%parallel_loop3A_360, %parallel_loop3A_361] {strides = array<i32>} : memref<512x32xf32, #tpu.memory_space<vmem>>, vector<16xf32>,
        %parallel_loop3A_363 = vector.broadcast %parallel_loop3A_359 : i32 to vector<16xi32>
        %parallel_loop3A_364 = arith.addi %mul3A_134, %parallel_loop3A_363 : vector<16xi32>
        %parallel_loop3A_365 = arith.constant 5.65685415 : f32
        %parallel_loop3A_366 = vector.broadcast %parallel_loop3A_365 : f32 to vector<16xf32>
        %parallel_loop3A_367 = arith.mulf %parallel_loop3A_362, %parallel_loop3A_366 : vector<16xf32>
        tpu.vector_store_idx %arg8[%parallel_loop3A_364], %parallel_loop3A_367 : memref<16416xf32, #tpu.memory_space<vmem>>[vector<16xi32>], vector<16xf32>,
      } {sc.loop_unroll_factor = 8 : i64, sc.parallel_access}
      %add3A_137 = arith.constant 16 : i32
      %add3A_138 = vector.broadcast %add3A_137 : i32 to vector<16xi32>
      %add3A_139 = arith.addi %add3A_138, %iota3A : vector<16xi32>
      %mul3A_140 = arith.constant 513 : i32
      %mul3A_141 = vector.broadcast %mul3A_140 : i32 to vector<16xi32>
      %mul3A_142 = arith.muli %add3A_139, %mul3A_141 : vector<16xi32>
      %parallel_loop3A_143 = arith.constant 0 : i32
      %parallel_loop3A_144 = arith.constant 512 : i32
      %parallel_loop3A_145 = arith.constant 1 : i32
      scf.for %parallel_loop3A_359 = %parallel_loop3A_143 to %parallel_loop3A_144 step %parallel_loop3A_145  : i32 {
        %parallel_loop3A_360 = arith.index_cast %parallel_loop3A_359 : i32 to index
        %parallel_loop3A_361 = arith.constant 16 : index
        %parallel_loop3A_362 = tpu.vector_load %arg6[%parallel_loop3A_360, %parallel_loop3A_361] {strides = array<i32>} : memref<512x32xf32, #tpu.memory_space<vmem>>, vector<16xf32>,
        %parallel_loop3A_363 = vector.broadcast %parallel_loop3A_359 : i32 to vector<16xi32>
        %parallel_loop3A_364 = arith.addi %mul3A_142, %parallel_loop3A_363 : vector<16xi32>
        %parallel_loop3A_365 = arith.constant 5.65685415 : f32
        %parallel_loop3A_366 = vector.broadcast %parallel_loop3A_365 : f32 to vector<16xf32>
        %parallel_loop3A_367 = arith.mulf %parallel_loop3A_362, %parallel_loop3A_366 : vector<16xf32>
        tpu.vector_store_idx %arg8[%parallel_loop3A_364], %parallel_loop3A_367 : memref<16416xf32, #tpu.memory_space<vmem>>[vector<16xi32>], vector<16xf32>,
      } {sc.loop_unroll_factor = 8 : i64, sc.parallel_access}
      %parallel_loop3A_146 = arith.constant 0 : i32
      %parallel_loop3A_147 = arith.constant 1024 : i32
      %parallel_loop3A_148 = arith.constant 1 : i32
      scf.for %parallel_loop3A_359 = %parallel_loop3A_146 to %parallel_loop3A_147 step %parallel_loop3A_148  : i32 {
        %parallel_loop3A_360 = arith.constant 5 : i32
        %parallel_loop3A_361 = arith.shrsi %parallel_loop3A_359, %parallel_loop3A_360 : i32
        %parallel_loop3A_362 = arith.constant 31 : i32
        %parallel_loop3A_363 = arith.andi %parallel_loop3A_359, %parallel_loop3A_362 : i32
        %parallel_loop3A_364 = arith.constant 513 : i32
        %parallel_loop3A_365 = arith.muli %parallel_loop3A_361, %parallel_loop3A_364 : i32
        %parallel_loop3A_366 = arith.constant 16 : i32
        %parallel_loop3A_367 = arith.muli %parallel_loop3A_363, %parallel_loop3A_366 : i32
        %parallel_loop3A_368 = arith.addi %parallel_loop3A_365, %parallel_loop3A_367 : i32
        %parallel_loop3A_369 = arith.index_cast %parallel_loop3A_368 : i32 to index
        %parallel_loop3A_370 = tpu.vector_load %arg8[%parallel_loop3A_369] {strides = array<i32>} : memref<16416xf32, #tpu.memory_space<vmem>>, vector<16xf32>,
        %parallel_loop3A_371 = arith.constant 3 : i32
        %parallel_loop3A_372 = arith.shrsi %parallel_loop3A_361, %parallel_loop3A_371 : i32
        %parallel_loop3A_373 = arith.constant 4096 : i32
        %parallel_loop3A_374 = arith.muli %parallel_loop3A_372, %parallel_loop3A_373 : i32
        %parallel_loop3A_375 = arith.constant 3 : i32
        %parallel_loop3A_376 = arith.shrsi %parallel_loop3A_363, %parallel_loop3A_375 : i32
        %parallel_loop3A_377 = arith.constant 1024 : i32
        %parallel_loop3A_378 = arith.muli %parallel_loop3A_376, %parallel_loop3A_377 : i32
        %parallel_loop3A_379 = arith.addi %parallel_loop3A_374, %parallel_loop3A_378 : i32
        %parallel_loop3A_380 = arith.constant 7 : i32
        %parallel_loop3A_381 = arith.andi %parallel_loop3A_361, %parallel_loop3A_380 : i32
        %parallel_loop3A_382 = arith.constant 128 : i32
        %parallel_loop3A_383 = arith.muli %parallel_loop3A_381, %parallel_loop3A_382 : i32
        %parallel_loop3A_384 = arith.addi %parallel_loop3A_379, %parallel_loop3A_383 : i32
        %parallel_loop3A_385 = arith.constant 7 : i32
        %parallel_loop3A_386 = arith.andi %parallel_loop3A_363, %parallel_loop3A_385 : i32
        %parallel_loop3A_387 = arith.constant 16 : i32
        %parallel_loop3A_388 = arith.muli %parallel_loop3A_386, %parallel_loop3A_387 : i32
        %parallel_loop3A_389 = arith.addi %parallel_loop3A_384, %parallel_loop3A_388 : i32
        %parallel_loop3A_390 = arith.index_cast %parallel_loop3A_389 : i32 to index
        %parallel_loop3A_391 = tpu.vector_load %arg9[%parallel_loop3A_390] {strides = array<i32>} : memref<16384xf32, #tpu.memory_space<vmem>>, vector<16xf32>,
        tpu.vector_store %arg9[%parallel_loop3A_390], %parallel_loop3A_370 {strides = array<i32>} : memref<16384xf32, #tpu.memory_space<vmem>>, vector<16xf32>,
      } {sc.loop_unroll_factor = 8 : i64, sc.parallel_access}
      %add3A_149 = arith.addi %mul3A_2, %mul3A_66 : i32
      %jit3A = arith.constant 8 : i32
      %div3A = arith.divsi %add3A_149, %jit3A : i32
      %sign3A = arith.constant 0 : i32
      %sign3A_150 = arith.cmpi sgt, %add3A_149, %sign3A : i32
      %sign3A_151 = arith.extui %sign3A_150 : i1 to i32
      %sign3A_152 = arith.constant 0 : i32
      %sign3A_153 = arith.cmpi slt, %add3A_149, %sign3A_152 : i32
      %sign3A_154 = arith.extui %sign3A_153 : i1 to i32
      %sign3A_155 = arith.subi %sign3A_151, %sign3A_154 : i32
      %sign3A_156 = arith.constant 0 : i32
      %sign3A_157 = arith.cmpi sgt, %jit3A, %sign3A_156 : i32
      %sign3A_158 = arith.extui %sign3A_157 : i1 to i32
      %sign3A_159 = arith.constant 0 : i32
      %sign3A_160 = arith.cmpi slt, %jit3A, %sign3A_159 : i32
      %sign3A_161 = arith.extui %sign3A_160 : i1 to i32
      %sign3A_162 = arith.subi %sign3A_158, %sign3A_161 : i32
      %ne3A = arith.cmpi ne, %sign3A_155, %sign3A_162 : i32
      %rem3A = arith.remsi %add3A_149, %jit3A : i32
      %ne3A_163 = arith.constant 0 : i32
      %ne3A_164 = arith.cmpi ne, %rem3A, %ne3A_163 : i32
      %and3A = arith.andi %ne3A, %ne3A_164 : i1
      %sub3A = arith.constant 1 : i32
      %sub3A_165 = arith.subi %div3A, %sub3A : i32
      %select_n3A = arith.select %and3A, %sub3A_165, %div3A : i32
      %jit3A_166 = arith.constant 8 : i32
      %eq3A = arith.constant 0 : i32
      %eq3A_167 = arith.cmpi eq, %jit3A_166, %eq3A : i32
      %jit3A_168 = arith.constant 1 : i32
      %select_n3A_169 = arith.select %eq3A_167, %jit3A_168, %jit3A_166 : i32
      %rem3A_170 = arith.remsi %add3A_149, %select_n3A_169 : i32
      %ne3A_171 = arith.constant 0 : i32
      %ne3A_172 = arith.cmpi ne, %rem3A_170, %ne3A_171 : i32
      %lt3A = arith.constant 0 : i32
      %lt3A_173 = arith.cmpi slt, %rem3A_170, %lt3A : i32
      %lt3A_174 = arith.constant 0 : i32
      %lt3A_175 = arith.cmpi slt, %select_n3A_169, %lt3A_174 : i32
      %ne3A_176 = arith.xori %lt3A_173, %lt3A_175 : i1
      %and3A_177 = arith.andi %ne3A_176, %ne3A_172 : i1
      %add3A_178 = arith.addi %rem3A_170, %select_n3A_169 : i32
      %select_n3A_179 = arith.select %and3A_177, %add3A_178, %rem3A_170 : i32
      %mul3A_180 = arith.constant 4096 : i32
      %mul3A_181 = arith.muli %select_n3A_179, %mul3A_180 : i32
      %add3A_182 = arith.constant 0 : i32
      %add3A_183 = arith.addi %add3A_182, %mul3A_181 : i32
      %dma_start3A_184 = arith.constant 0 : i32
      %dma_start3A_185 = tpu.memref_slice %arg9[%dma_start3A_184] : memref<16384xf32, #tpu.memory_space<vmem>> -> memref<4096xf32, #tpu.memory_space<vmem>>
      %dma_start3A_186 = tpu.memref_slice %arg4[%select_n3A, %add3A_183] : memref<200x131072xf32, #tpu.memory_space<hbm>> -> memref<1x4096xf32, #tpu.memory_space<hbm>>
      %dma_start3A_187 = tpu.memref_squeeze %dma_start3A_186 : memref<1x4096xf32, #tpu.memory_space<hbm>> -> memref<4096xf32, #tpu.memory_space<hbm>>
      %dma_start3A_188 = tpu.memref_slice %arg4[%select_n3A, %add3A_183] : memref<200x131072xf32, #tpu.memory_space<hbm>> -> memref<1x4096xf32, #tpu.memory_space<hbm>>
      %dma_start3A_189 = tpu.memref_squeeze %dma_start3A_188 : memref<1x4096xf32, #tpu.memory_space<hbm>> -> memref<4096xf32, #tpu.memory_space<hbm>>
      %dma_start3A_190 = arith.constant 0 : i32
      %dma_start3A_191 = tpu.memref_slice %arg9[%dma_start3A_190] : memref<16384xf32, #tpu.memory_space<vmem>> -> memref<4096xf32, #tpu.memory_space<vmem>>
      tpu.enqueue_dma source(%dma_start3A_191 : memref<4096xf32, #tpu.memory_space<vmem>>) target(%dma_start3A_189 : memref<4096xf32, #tpu.memory_space<hbm>>) target_semaphore(%arg13 : memref<!tpu.dma_semaphore, #tpu.memory_space<semaphore_mem>>)
      %mul3A_192 = arith.constant 4096 : i32
      %mul3A_193 = arith.muli %select_n3A_179, %mul3A_192 : i32
      %add3A_194 = arith.constant 32768 : i32
      %add3A_195 = arith.addi %add3A_194, %mul3A_193 : i32
      %dma_start3A_196 = arith.constant 4096 : i32
      %dma_start3A_197 = tpu.memref_slice %arg9[%dma_start3A_196] : memref<16384xf32, #tpu.memory_space<vmem>> -> memref<4096xf32, #tpu.memory_space<vmem>>
      %dma_start3A_198 = tpu.memref_slice %arg4[%select_n3A, %add3A_195] : memref<200x131072xf32, #tpu.memory_space<hbm>> -> memref<1x4096xf32, #tpu.memory_space<hbm>>
      %dma_start3A_199 = tpu.memref_squeeze %dma_start3A_198 : memref<1x4096xf32, #tpu.memory_space<hbm>> -> memref<4096xf32, #tpu.memory_space<hbm>>
      %dma_start3A_200 = tpu.memref_slice %arg4[%select_n3A, %add3A_195] : memref<200x131072xf32, #tpu.memory_space<hbm>> -> memref<1x4096xf32, #tpu.memory_space<hbm>>
      %dma_start3A_201 = tpu.memref_squeeze %dma_start3A_200 : memref<1x4096xf32, #tpu.memory_space<hbm>> -> memref<4096xf32, #tpu.memory_space<hbm>>
      %dma_start3A_202 = arith.constant 4096 : i32
      %dma_start3A_203 = tpu.memref_slice %arg9[%dma_start3A_202] : memref<16384xf32, #tpu.memory_space<vmem>> -> memref<4096xf32, #tpu.memory_space<vmem>>
      tpu.enqueue_dma source(%dma_start3A_203 : memref<4096xf32, #tpu.memory_space<vmem>>) target(%dma_start3A_201 : memref<4096xf32, #tpu.memory_space<hbm>>) target_semaphore(%arg13 : memref<!tpu.dma_semaphore, #tpu.memory_space<semaphore_mem>>)
      %mul3A_204 = arith.constant 4096 : i32
      %mul3A_205 = arith.muli %select_n3A_179, %mul3A_204 : i32
      %add3A_206 = arith.constant 65536 : i32
      %add3A_207 = arith.addi %add3A_206, %mul3A_205 : i32
      %dma_start3A_208 = arith.constant 8192 : i32
      %dma_start3A_209 = tpu.memref_slice %arg9[%dma_start3A_208] : memref<16384xf32, #tpu.memory_space<vmem>> -> memref<4096xf32, #tpu.memory_space<vmem>>
      %dma_start3A_210 = tpu.memref_slice %arg4[%select_n3A, %add3A_207] : memref<200x131072xf32, #tpu.memory_space<hbm>> -> memref<1x4096xf32, #tpu.memory_space<hbm>>
      %dma_start3A_211 = tpu.memref_squeeze %dma_start3A_210 : memref<1x4096xf32, #tpu.memory_space<hbm>> -> memref<4096xf32, #tpu.memory_space<hbm>>
      %dma_start3A_212 = tpu.memref_slice %arg4[%select_n3A, %add3A_207] : memref<200x131072xf32, #tpu.memory_space<hbm>> -> memref<1x4096xf32, #tpu.memory_space<hbm>>
      %dma_start3A_213 = tpu.memref_squeeze %dma_start3A_212 : memref<1x4096xf32, #tpu.memory_space<hbm>> -> memref<4096xf32, #tpu.memory_space<hbm>>
      %dma_start3A_214 = arith.constant 8192 : i32
      %dma_start3A_215 = tpu.memref_slice %arg9[%dma_start3A_214] : memref<16384xf32, #tpu.memory_space<vmem>> -> memref<4096xf32, #tpu.memory_space<vmem>>
      tpu.enqueue_dma source(%dma_start3A_215 : memref<4096xf32, #tpu.memory_space<vmem>>) target(%dma_start3A_213 : memref<4096xf32, #tpu.memory_space<hbm>>) target_semaphore(%arg13 : memref<!tpu.dma_semaphore, #tpu.memory_space<semaphore_mem>>)
      %mul3A_216 = arith.constant 4096 : i32
      %mul3A_217 = arith.muli %select_n3A_179, %mul3A_216 : i32
      %add3A_218 = arith.constant 98304 : i32
      %add3A_219 = arith.addi %add3A_218, %mul3A_217 : i32
      %dma_start3A_220 = arith.constant 12288 : i32
      %dma_start3A_221 = tpu.memref_slice %arg9[%dma_start3A_220] : memref<16384xf32, #tpu.memory_space<vmem>> -> memref<4096xf32, #tpu.memory_space<vmem>>
      %dma_start3A_222 = tpu.memref_slice %arg4[%select_n3A, %add3A_219] : memref<200x131072xf32, #tpu.memory_space<hbm>> -> memref<1x4096xf32, #tpu.memory_space<hbm>>
      %dma_start3A_223 = tpu.memref_squeeze %dma_start3A_222 : memref<1x4096xf32, #tpu.memory_space<hbm>> -> memref<4096xf32, #tpu.memory_space<hbm>>
      %dma_start3A_224 = tpu.memref_slice %arg4[%select_n3A, %add3A_219] : memref<200x131072xf32, #tpu.memory_space<hbm>> -> memref<1x4096xf32, #tpu.memory_space<hbm>>
      %dma_start3A_225 = tpu.memref_squeeze %dma_start3A_224 : memref<1x4096xf32, #tpu.memory_space<hbm>> -> memref<4096xf32, #tpu.memory_space<hbm>>
      %dma_start3A_226 = arith.constant 12288 : i32
      %dma_start3A_227 = tpu.memref_slice %arg9[%dma_start3A_226] : memref<16384xf32, #tpu.memory_space<vmem>> -> memref<4096xf32, #tpu.memory_space<vmem>>
      tpu.enqueue_dma source(%dma_start3A_227 : memref<4096xf32, #tpu.memory_space<vmem>>) target(%dma_start3A_225 : memref<4096xf32, #tpu.memory_space<hbm>>) target_semaphore(%arg13 : memref<!tpu.dma_semaphore, #tpu.memory_space<semaphore_mem>>)
      %add3A_228 = arith.constant 1 : i32
      %add3A_229 = arith.addi %scan3A_63, %add3A_228 : i32
      %lt3A_230 = arith.constant 25 : i32
      %lt3A_231 = arith.cmpi slt, %add3A_229, %lt3A_230 : i32
      %convert_element_type3A_232 = arith.extui %lt3A_231 : i1 to i32
      %cond3A_233 = arith.constant 0 : i32
      %cond3A_234 = arith.cmpi ne, %convert_element_type3A_232, %cond3A_233 : i32
      scf.if %cond3A_234 {
        %add3A_359 = arith.constant 2 : i32
        %add3A_360 = arith.addi %mul3A_66, %add3A_359 : i32
        %mul3A_361 = arith.constant 4 : i32
        %mul3A_362 = arith.muli %add3A_360, %mul3A_361 : i32
        %add3A_363 = arith.constant 0 : i32
        %add3A_364 = arith.addi %mul3A_362, %add3A_363 : i32
        %dma_start3A_365 = arith.constant 0 : i32
        %dma_start3A_366 = arith.constant 0 : i32
        %dma_start3A_367 = tpu.memref_slice %arg6[%dma_start3A_365, %dma_start3A_366] : memref<512x32xf32, #tpu.memory_space<vmem>> -> memref<128x32xf32, #tpu.memory_space<vmem>>
        %dma_start3A_368 = arith.constant 0 : i32
        %dma_start3A_369 = tpu.memref_slice %arg5[%add3A_364, %dma_start3A_368] : memref<200x128xi32, #tpu.memory_space<vmem>> -> memref<1x128xi32, #tpu.memory_space<vmem>>
        %dma_start3A_370 = tpu.memref_squeeze %dma_start3A_369 : memref<1x128xi32, #tpu.memory_space<vmem>> -> memref<128xi32, #tpu.memory_space<vmem>>
        %dma_start3A_371 = arith.constant 0 : i32
        %dma_start3A_372 = arith.constant 0 : i32
        %dma_start3A_373 = tpu.memref_slice %arg3[%dma_start3A_371, %dma_start3A_372] : memref<1000000x32xf32, #tpu.memory_space<hbm>> -> memref<1000000x32xf32, #tpu.memory_space<hbm>>
        tpu.enqueue_indirect_dma source(%dma_start3A_373 : memref<1000000x32xf32, #tpu.memory_space<hbm>>) target(%dma_start3A_367 : memref<128x32xf32, #tpu.memory_space<vmem>>) offsets(%dma_start3A_370 : memref<128xi32, #tpu.memory_space<vmem>>) semaphore(%arg11 : memref<!tpu.dma_semaphore, #tpu.memory_space<semaphore_mem>>)
        %mul3A_374 = arith.constant 4 : i32
        %mul3A_375 = arith.muli %add3A_360, %mul3A_374 : i32
        %add3A_376 = arith.constant 1 : i32
        %add3A_377 = arith.addi %mul3A_375, %add3A_376 : i32
        %dma_start3A_378 = arith.constant 128 : i32
        %dma_start3A_379 = arith.constant 0 : i32
        %dma_start3A_380 = tpu.memref_slice %arg6[%dma_start3A_378, %dma_start3A_379] : memref<512x32xf32, #tpu.memory_space<vmem>> -> memref<128x32xf32, #tpu.memory_space<vmem>>
        %dma_start3A_381 = arith.constant 0 : i32
        %dma_start3A_382 = tpu.memref_slice %arg5[%add3A_377, %dma_start3A_381] : memref<200x128xi32, #tpu.memory_space<vmem>> -> memref<1x128xi32, #tpu.memory_space<vmem>>
        %dma_start3A_383 = tpu.memref_squeeze %dma_start3A_382 : memref<1x128xi32, #tpu.memory_space<vmem>> -> memref<128xi32, #tpu.memory_space<vmem>>
        %dma_start3A_384 = arith.constant 0 : i32
        %dma_start3A_385 = arith.constant 0 : i32
        %dma_start3A_386 = tpu.memref_slice %arg3[%dma_start3A_384, %dma_start3A_385] : memref<1000000x32xf32, #tpu.memory_space<hbm>> -> memref<1000000x32xf32, #tpu.memory_space<hbm>>
        tpu.enqueue_indirect_dma source(%dma_start3A_386 : memref<1000000x32xf32, #tpu.memory_space<hbm>>) target(%dma_start3A_380 : memref<128x32xf32, #tpu.memory_space<vmem>>) offsets(%dma_start3A_383 : memref<128xi32, #tpu.memory_space<vmem>>) semaphore(%arg11 : memref<!tpu.dma_semaphore, #tpu.memory_space<semaphore_mem>>)
        %mul3A_387 = arith.constant 4 : i32
        %mul3A_388 = arith.muli %add3A_360, %mul3A_387 : i32
        %add3A_389 = arith.constant 2 : i32
        %add3A_390 = arith.addi %mul3A_388, %add3A_389 : i32
        %dma_start3A_391 = arith.constant 256 : i32
        %dma_start3A_392 = arith.constant 0 : i32
        %dma_start3A_393 = tpu.memref_slice %arg6[%dma_start3A_391, %dma_start3A_392] : memref<512x32xf32, #tpu.memory_space<vmem>> -> memref<128x32xf32, #tpu.memory_space<vmem>>
        %dma_start3A_394 = arith.constant 0 : i32
        %dma_start3A_395 = tpu.memref_slice %arg5[%add3A_390, %dma_start3A_394] : memref<200x128xi32, #tpu.memory_space<vmem>> -> memref<1x128xi32, #tpu.memory_space<vmem>>
        %dma_start3A_396 = tpu.memref_squeeze %dma_start3A_395 : memref<1x128xi32, #tpu.memory_space<vmem>> -> memref<128xi32, #tpu.memory_space<vmem>>
        %dma_start3A_397 = arith.constant 0 : i32
        %dma_start3A_398 = arith.constant 0 : i32
        %dma_start3A_399 = tpu.memref_slice %arg3[%dma_start3A_397, %dma_start3A_398] : memref<1000000x32xf32, #tpu.memory_space<hbm>> -> memref<1000000x32xf32, #tpu.memory_space<hbm>>
        tpu.enqueue_indirect_dma source(%dma_start3A_399 : memref<1000000x32xf32, #tpu.memory_space<hbm>>) target(%dma_start3A_393 : memref<128x32xf32, #tpu.memory_space<vmem>>) offsets(%dma_start3A_396 : memref<128xi32, #tpu.memory_space<vmem>>) semaphore(%arg11 : memref<!tpu.dma_semaphore, #tpu.memory_space<semaphore_mem>>)
        %mul3A_400 = arith.constant 4 : i32
        %mul3A_401 = arith.muli %add3A_360, %mul3A_400 : i32
        %add3A_402 = arith.constant 3 : i32
        %add3A_403 = arith.addi %mul3A_401, %add3A_402 : i32
        %dma_start3A_404 = arith.constant 384 : i32
        %dma_start3A_405 = arith.constant 0 : i32
        %dma_start3A_406 = tpu.memref_slice %arg6[%dma_start3A_404, %dma_start3A_405] : memref<512x32xf32, #tpu.memory_space<vmem>> -> memref<128x32xf32, #tpu.memory_space<vmem>>
        %dma_start3A_407 = arith.constant 0 : i32
        %dma_start3A_408 = tpu.memref_slice %arg5[%add3A_403, %dma_start3A_407] : memref<200x128xi32, #tpu.memory_space<vmem>> -> memref<1x128xi32, #tpu.memory_space<vmem>>
        %dma_start3A_409 = tpu.memref_squeeze %dma_start3A_408 : memref<1x128xi32, #tpu.memory_space<vmem>> -> memref<128xi32, #tpu.memory_space<vmem>>
        %dma_start3A_410 = arith.constant 0 : i32
        %dma_start3A_411 = arith.constant 0 : i32
        %dma_start3A_412 = tpu.memref_slice %arg3[%dma_start3A_410, %dma_start3A_411] : memref<1000000x32xf32, #tpu.memory_space<hbm>> -> memref<1000000x32xf32, #tpu.memory_space<hbm>>
        tpu.enqueue_indirect_dma source(%dma_start3A_412 : memref<1000000x32xf32, #tpu.memory_space<hbm>>) target(%dma_start3A_406 : memref<128x32xf32, #tpu.memory_space<vmem>>) offsets(%dma_start3A_409 : memref<128xi32, #tpu.memory_space<vmem>>) semaphore(%arg11 : memref<!tpu.dma_semaphore, #tpu.memory_space<semaphore_mem>>)
      } else {
      }
      %dma_wait3A_235 = arith.constant 0 : i32
      %dma_wait3A_236 = arith.constant 0 : i32
      %dma_wait3A_237 = tpu.memref_slice %arg3[%dma_wait3A_235, %dma_wait3A_236] : memref<1000000x32xf32, #tpu.memory_space<hbm>> -> memref<512x32xf32, #tpu.memory_space<hbm>>
      %dma_wait3A_238 = arith.constant 0 : i32
      %dma_wait3A_239 = arith.constant 0 : i32
      %dma_wait3A_240 = tpu.memref_slice %arg3[%dma_wait3A_238, %dma_wait3A_239] : memref<1000000x32xf32, #tpu.memory_space<hbm>> -> memref<512x32xf32, #tpu.memory_space<hbm>>
      tpu.wait_dma2 semaphore(%arg12 : memref<!tpu.dma_semaphore, #tpu.memory_space<semaphore_mem>>) src(%dma_wait3A_240 : memref<512x32xf32, #tpu.memory_space<hbm>>) dst(%arg7 : memref<512x32xf32, #tpu.memory_space<vmem>>)
      %gt3A_241 = arith.constant 0 : i32
      %gt3A_242 = arith.cmpi sgt, %scan3A_63, %gt3A_241 : i32
      %convert_element_type3A_243 = arith.extui %gt3A_242 : i1 to i32
      %cond3A_244 = arith.constant 0 : i32
      %cond3A_245 = arith.cmpi ne, %convert_element_type3A_243, %cond3A_244 : i32
      scf.if %cond3A_245 {
        %dma_wait3A_359 = arith.constant 0 : i32
        %dma_wait3A_360 = arith.constant 0 : i32
        %dma_wait3A_361 = tpu.memref_slice %arg4[%dma_wait3A_359, %dma_wait3A_360] : memref<200x131072xf32, #tpu.memory_space<hbm>> -> memref<1x16384xf32, #tpu.memory_space<hbm>>
        %dma_wait3A_362 = tpu.memref_squeeze %dma_wait3A_361 : memref<1x16384xf32, #tpu.memory_space<hbm>> -> memref<16384xf32, #tpu.memory_space<hbm>>
        %dma_wait3A_363 = arith.constant 0 : i32
        %dma_wait3A_364 = tpu.memref_slice %arg4[%dma_wait3A_359, %dma_wait3A_363] : memref<200x131072xf32, #tpu.memory_space<hbm>> -> memref<1x16384xf32, #tpu.memory_space<hbm>>
        %dma_wait3A_365 = tpu.memref_squeeze %dma_wait3A_364 : memref<1x16384xf32, #tpu.memory_space<hbm>> -> memref<16384xf32, #tpu.memory_space<hbm>>
        tpu.wait_dma2 semaphore(%arg14 : memref<!tpu.dma_semaphore, #tpu.memory_space<semaphore_mem>>) src(%dma_wait3A_365 : memref<16384xf32, #tpu.memory_space<hbm>>) dst(%arg10 : memref<16384xf32, #tpu.memory_space<vmem>>)
      } else {
      }
      %add3A_246 = arith.constant 0 : i32
      %add3A_247 = vector.broadcast %add3A_246 : i32 to vector<16xi32>
      %add3A_248 = arith.addi %add3A_247, %iota3A : vector<16xi32>
      %mul3A_249 = arith.constant 513 : i32
      %mul3A_250 = vector.broadcast %mul3A_249 : i32 to vector<16xi32>
      %mul3A_251 = arith.muli %add3A_248, %mul3A_250 : vector<16xi32>
      %parallel_loop3A_252 = arith.constant 0 : i32
      %parallel_loop3A_253 = arith.constant 512 : i32
      %parallel_loop3A_254 = arith.constant 1 : i32
      scf.for %parallel_loop3A_359 = %parallel_loop3A_252 to %parallel_loop3A_253 step %parallel_loop3A_254  : i32 {
        %parallel_loop3A_360 = arith.index_cast %parallel_loop3A_359 : i32 to index
        %parallel_loop3A_361 = arith.constant 0 : index
        %parallel_loop3A_362 = tpu.vector_load %arg7[%parallel_loop3A_360, %parallel_loop3A_361] {strides = array<i32>} : memref<512x32xf32, #tpu.memory_space<vmem>>, vector<16xf32>,
        %parallel_loop3A_363 = vector.broadcast %parallel_loop3A_359 : i32 to vector<16xi32>
        %parallel_loop3A_364 = arith.addi %mul3A_251, %parallel_loop3A_363 : vector<16xi32>
        %parallel_loop3A_365 = arith.constant 5.65685415 : f32
        %parallel_loop3A_366 = vector.broadcast %parallel_loop3A_365 : f32 to vector<16xf32>
        %parallel_loop3A_367 = arith.mulf %parallel_loop3A_362, %parallel_loop3A_366 : vector<16xf32>
        tpu.vector_store_idx %arg8[%parallel_loop3A_364], %parallel_loop3A_367 : memref<16416xf32, #tpu.memory_space<vmem>>[vector<16xi32>], vector<16xf32>,
      } {sc.loop_unroll_factor = 8 : i64, sc.parallel_access}
      %add3A_255 = arith.constant 16 : i32
      %add3A_256 = vector.broadcast %add3A_255 : i32 to vector<16xi32>
      %add3A_257 = arith.addi %add3A_256, %iota3A : vector<16xi32>
      %mul3A_258 = arith.constant 513 : i32
      %mul3A_259 = vector.broadcast %mul3A_258 : i32 to vector<16xi32>
      %mul3A_260 = arith.muli %add3A_257, %mul3A_259 : vector<16xi32>
      %parallel_loop3A_261 = arith.constant 0 : i32
      %parallel_loop3A_262 = arith.constant 512 : i32
      %parallel_loop3A_263 = arith.constant 1 : i32
      scf.for %parallel_loop3A_359 = %parallel_loop3A_261 to %parallel_loop3A_262 step %parallel_loop3A_263  : i32 {
        %parallel_loop3A_360 = arith.index_cast %parallel_loop3A_359 : i32 to index
        %parallel_loop3A_361 = arith.constant 16 : index
        %parallel_loop3A_362 = tpu.vector_load %arg7[%parallel_loop3A_360, %parallel_loop3A_361] {strides = array<i32>} : memref<512x32xf32, #tpu.memory_space<vmem>>, vector<16xf32>,
        %parallel_loop3A_363 = vector.broadcast %parallel_loop3A_359 : i32 to vector<16xi32>
        %parallel_loop3A_364 = arith.addi %mul3A_260, %parallel_loop3A_363 : vector<16xi32>
        %parallel_loop3A_365 = arith.constant 5.65685415 : f32
        %parallel_loop3A_366 = vector.broadcast %parallel_loop3A_365 : f32 to vector<16xf32>
        %parallel_loop3A_367 = arith.mulf %parallel_loop3A_362, %parallel_loop3A_366 : vector<16xf32>
        tpu.vector_store_idx %arg8[%parallel_loop3A_364], %parallel_loop3A_367 : memref<16416xf32, #tpu.memory_space<vmem>>[vector<16xi32>], vector<16xf32>,
      } {sc.loop_unroll_factor = 8 : i64, sc.parallel_access}
      %parallel_loop3A_264 = arith.constant 0 : i32
      %parallel_loop3A_265 = arith.constant 1024 : i32
      %parallel_loop3A_266 = arith.constant 1 : i32
      scf.for %parallel_loop3A_359 = %parallel_loop3A_264 to %parallel_loop3A_265 step %parallel_loop3A_266  : i32 {
        %parallel_loop3A_360 = arith.constant 5 : i32
        %parallel_loop3A_361 = arith.shrsi %parallel_loop3A_359, %parallel_loop3A_360 : i32
        %parallel_loop3A_362 = arith.constant 31 : i32
        %parallel_loop3A_363 = arith.andi %parallel_loop3A_359, %parallel_loop3A_362 : i32
        %parallel_loop3A_364 = arith.constant 513 : i32
        %parallel_loop3A_365 = arith.muli %parallel_loop3A_361, %parallel_loop3A_364 : i32
        %parallel_loop3A_366 = arith.constant 16 : i32
        %parallel_loop3A_367 = arith.muli %parallel_loop3A_363, %parallel_loop3A_366 : i32
        %parallel_loop3A_368 = arith.addi %parallel_loop3A_365, %parallel_loop3A_367 : i32
        %parallel_loop3A_369 = arith.index_cast %parallel_loop3A_368 : i32 to index
        %parallel_loop3A_370 = tpu.vector_load %arg8[%parallel_loop3A_369] {strides = array<i32>} : memref<16416xf32, #tpu.memory_space<vmem>>, vector<16xf32>,
        %parallel_loop3A_371 = arith.constant 3 : i32
        %parallel_loop3A_372 = arith.shrsi %parallel_loop3A_361, %parallel_loop3A_371 : i32
        %parallel_loop3A_373 = arith.constant 4096 : i32
        %parallel_loop3A_374 = arith.muli %parallel_loop3A_372, %parallel_loop3A_373 : i32
        %parallel_loop3A_375 = arith.constant 3 : i32
        %parallel_loop3A_376 = arith.shrsi %parallel_loop3A_363, %parallel_loop3A_375 : i32
        %parallel_loop3A_377 = arith.constant 1024 : i32
        %parallel_loop3A_378 = arith.muli %parallel_loop3A_376, %parallel_loop3A_377 : i32
        %parallel_loop3A_379 = arith.addi %parallel_loop3A_374, %parallel_loop3A_378 : i32
        %parallel_loop3A_380 = arith.constant 7 : i32
        %parallel_loop3A_381 = arith.andi %parallel_loop3A_361, %parallel_loop3A_380 : i32
        %parallel_loop3A_382 = arith.constant 128 : i32
        %parallel_loop3A_383 = arith.muli %parallel_loop3A_381, %parallel_loop3A_382 : i32
        %parallel_loop3A_384 = arith.addi %parallel_loop3A_379, %parallel_loop3A_383 : i32
        %parallel_loop3A_385 = arith.constant 7 : i32
        %parallel_loop3A_386 = arith.andi %parallel_loop3A_363, %parallel_loop3A_385 : i32
        %parallel_loop3A_387 = arith.constant 16 : i32
        %parallel_loop3A_388 = arith.muli %parallel_loop3A_386, %parallel_loop3A_387 : i32
        %parallel_loop3A_389 = arith.addi %parallel_loop3A_384, %parallel_loop3A_388 : i32
        %parallel_loop3A_390 = arith.index_cast %parallel_loop3A_389 : i32 to index
        %parallel_loop3A_391 = tpu.vector_load %arg10[%parallel_loop3A_390] {strides = array<i32>} : memref<16384xf32, #tpu.memory_space<vmem>>, vector<16xf32>,
        tpu.vector_store %arg10[%parallel_loop3A_390], %parallel_loop3A_370 {strides = array<i32>} : memref<16384xf32, #tpu.memory_space<vmem>>, vector<16xf32>,
      } {sc.loop_unroll_factor = 8 : i64, sc.parallel_access}
      %add3A_267 = arith.constant 1 : i32
      %add3A_268 = arith.addi %mul3A_66, %add3A_267 : i32
      %add3A_269 = arith.addi %mul3A_2, %add3A_268 : i32
      %jit3A_270 = arith.constant 8 : i32
      %div3A_271 = arith.divsi %add3A_269, %jit3A_270 : i32
      %sign3A_272 = arith.constant 0 : i32
      %sign3A_273 = arith.cmpi sgt, %add3A_269, %sign3A_272 : i32
      %sign3A_274 = arith.extui %sign3A_273 : i1 to i32
      %sign3A_275 = arith.constant 0 : i32
      %sign3A_276 = arith.cmpi slt, %add3A_269, %sign3A_275 : i32
      %sign3A_277 = arith.extui %sign3A_276 : i1 to i32
      %sign3A_278 = arith.subi %sign3A_274, %sign3A_277 : i32
      %sign3A_279 = arith.constant 0 : i32
      %sign3A_280 = arith.cmpi sgt, %jit3A_270, %sign3A_279 : i32
      %sign3A_281 = arith.extui %sign3A_280 : i1 to i32
      %sign3A_282 = arith.constant 0 : i32
      %sign3A_283 = arith.cmpi slt, %jit3A_270, %sign3A_282 : i32
      %sign3A_284 = arith.extui %sign3A_283 : i1 to i32
      %sign3A_285 = arith.subi %sign3A_281, %sign3A_284 : i32
      %ne3A_286 = arith.cmpi ne, %sign3A_278, %sign3A_285 : i32
      %rem3A_287 = arith.remsi %add3A_269, %jit3A_270 : i32
      %ne3A_288 = arith.constant 0 : i32
      %ne3A_289 = arith.cmpi ne, %rem3A_287, %ne3A_288 : i32
      %and3A_290 = arith.andi %ne3A_286, %ne3A_289 : i1
      %sub3A_291 = arith.constant 1 : i32
      %sub3A_292 = arith.subi %div3A_271, %sub3A_291 : i32
      %select_n3A_293 = arith.select %and3A_290, %sub3A_292, %div3A_271 : i32
      %jit3A_294 = arith.constant 8 : i32
      %eq3A_295 = arith.constant 0 : i32
      %eq3A_296 = arith.cmpi eq, %jit3A_294, %eq3A_295 : i32
      %jit3A_297 = arith.constant 1 : i32
      %select_n3A_298 = arith.select %eq3A_296, %jit3A_297, %jit3A_294 : i32
      %rem3A_299 = arith.remsi %add3A_269, %select_n3A_298 : i32
      %ne3A_300 = arith.constant 0 : i32
      %ne3A_301 = arith.cmpi ne, %rem3A_299, %ne3A_300 : i32
      %lt3A_302 = arith.constant 0 : i32
      %lt3A_303 = arith.cmpi slt, %rem3A_299, %lt3A_302 : i32
      %lt3A_304 = arith.constant 0 : i32
      %lt3A_305 = arith.cmpi slt, %select_n3A_298, %lt3A_304 : i32
      %ne3A_306 = arith.xori %lt3A_303, %lt3A_305 : i1
      %and3A_307 = arith.andi %ne3A_306, %ne3A_301 : i1
      %add3A_308 = arith.addi %rem3A_299, %select_n3A_298 : i32
      %select_n3A_309 = arith.select %and3A_307, %add3A_308, %rem3A_299 : i32
      %mul3A_310 = arith.constant 4096 : i32
      %mul3A_311 = arith.muli %select_n3A_309, %mul3A_310 : i32
      %add3A_312 = arith.constant 0 : i32
      %add3A_313 = arith.addi %add3A_312, %mul3A_311 : i32
      %dma_start3A_314 = arith.constant 0 : i32
      %dma_start3A_315 = tpu.memref_slice %arg10[%dma_start3A_314] : memref<16384xf32, #tpu.memory_space<vmem>> -> memref<4096xf32, #tpu.memory_space<vmem>>
      %dma_start3A_316 = tpu.memref_slice %arg4[%select_n3A_293, %add3A_313] : memref<200x131072xf32, #tpu.memory_space<hbm>> -> memref<1x4096xf32, #tpu.memory_space<hbm>>
      %dma_start3A_317 = tpu.memref_squeeze %dma_start3A_316 : memref<1x4096xf32, #tpu.memory_space<hbm>> -> memref<4096xf32, #tpu.memory_space<hbm>>
      %dma_start3A_318 = tpu.memref_slice %arg4[%select_n3A_293, %add3A_313] : memref<200x131072xf32, #tpu.memory_space<hbm>> -> memref<1x4096xf32, #tpu.memory_space<hbm>>
      %dma_start3A_319 = tpu.memref_squeeze %dma_start3A_318 : memref<1x4096xf32, #tpu.memory_space<hbm>> -> memref<4096xf32, #tpu.memory_space<hbm>>
      %dma_start3A_320 = arith.constant 0 : i32
      %dma_start3A_321 = tpu.memref_slice %arg10[%dma_start3A_320] : memref<16384xf32, #tpu.memory_space<vmem>> -> memref<4096xf32, #tpu.memory_space<vmem>>
      tpu.enqueue_dma source(%dma_start3A_321 : memref<4096xf32, #tpu.memory_space<vmem>>) target(%dma_start3A_319 : memref<4096xf32, #tpu.memory_space<hbm>>) target_semaphore(%arg14 : memref<!tpu.dma_semaphore, #tpu.memory_space<semaphore_mem>>)
      %mul3A_322 = arith.constant 4096 : i32
      %mul3A_323 = arith.muli %select_n3A_309, %mul3A_322 : i32
      %add3A_324 = arith.constant 32768 : i32
      %add3A_325 = arith.addi %add3A_324, %mul3A_323 : i32
      %dma_start3A_326 = arith.constant 4096 : i32
      %dma_start3A_327 = tpu.memref_slice %arg10[%dma_start3A_326] : memref<16384xf32, #tpu.memory_space<vmem>> -> memref<4096xf32, #tpu.memory_space<vmem>>
      %dma_start3A_328 = tpu.memref_slice %arg4[%select_n3A_293, %add3A_325] : memref<200x131072xf32, #tpu.memory_space<hbm>> -> memref<1x4096xf32, #tpu.memory_space<hbm>>
      %dma_start3A_329 = tpu.memref_squeeze %dma_start3A_328 : memref<1x4096xf32, #tpu.memory_space<hbm>> -> memref<4096xf32, #tpu.memory_space<hbm>>
      %dma_start3A_330 = tpu.memref_slice %arg4[%select_n3A_293, %add3A_325] : memref<200x131072xf32, #tpu.memory_space<hbm>> -> memref<1x4096xf32, #tpu.memory_space<hbm>>
      %dma_start3A_331 = tpu.memref_squeeze %dma_start3A_330 : memref<1x4096xf32, #tpu.memory_space<hbm>> -> memref<4096xf32, #tpu.memory_space<hbm>>
      %dma_start3A_332 = arith.constant 4096 : i32
      %dma_start3A_333 = tpu.memref_slice %arg10[%dma_start3A_332] : memref<16384xf32, #tpu.memory_space<vmem>> -> memref<4096xf32, #tpu.memory_space<vmem>>
      tpu.enqueue_dma source(%dma_start3A_333 : memref<4096xf32, #tpu.memory_space<vmem>>) target(%dma_start3A_331 : memref<4096xf32, #tpu.memory_space<hbm>>) target_semaphore(%arg14 : memref<!tpu.dma_semaphore, #tpu.memory_space<semaphore_mem>>)
      %mul3A_334 = arith.constant 4096 : i32
      %mul3A_335 = arith.muli %select_n3A_309, %mul3A_334 : i32
      %add3A_336 = arith.constant 65536 : i32
      %add3A_337 = arith.addi %add3A_336, %mul3A_335 : i32
      %dma_start3A_338 = arith.constant 8192 : i32
      %dma_start3A_339 = tpu.memref_slice %arg10[%dma_start3A_338] : memref<16384xf32, #tpu.memory_space<vmem>> -> memref<4096xf32, #tpu.memory_space<vmem>>
      %dma_start3A_340 = tpu.memref_slice %arg4[%select_n3A_293, %add3A_337] : memref<200x131072xf32, #tpu.memory_space<hbm>> -> memref<1x4096xf32, #tpu.memory_space<hbm>>
      %dma_start3A_341 = tpu.memref_squeeze %dma_start3A_340 : memref<1x4096xf32, #tpu.memory_space<hbm>> -> memref<4096xf32, #tpu.memory_space<hbm>>
      %dma_start3A_342 = tpu.memref_slice %arg4[%select_n3A_293, %add3A_337] : memref<200x131072xf32, #tpu.memory_space<hbm>> -> memref<1x4096xf32, #tpu.memory_space<hbm>>
      %dma_start3A_343 = tpu.memref_squeeze %dma_start3A_342 : memref<1x4096xf32, #tpu.memory_space<hbm>> -> memref<4096xf32, #tpu.memory_space<hbm>>
      %dma_start3A_344 = arith.constant 8192 : i32
      %dma_start3A_345 = tpu.memref_slice %arg10[%dma_start3A_344] : memref<16384xf32, #tpu.memory_space<vmem>> -> memref<4096xf32, #tpu.memory_space<vmem>>
      tpu.enqueue_dma source(%dma_start3A_345 : memref<4096xf32, #tpu.memory_space<vmem>>) target(%dma_start3A_343 : memref<4096xf32, #tpu.memory_space<hbm>>) target_semaphore(%arg14 : memref<!tpu.dma_semaphore, #tpu.memory_space<semaphore_mem>>)
      %mul3A_346 = arith.constant 4096 : i32
      %mul3A_347 = arith.muli %select_n3A_309, %mul3A_346 : i32
      %add3A_348 = arith.constant 98304 : i32
      %add3A_349 = arith.addi %add3A_348, %mul3A_347 : i32
      %dma_start3A_350 = arith.constant 12288 : i32
      %dma_start3A_351 = tpu.memref_slice %arg10[%dma_start3A_350] : memref<16384xf32, #tpu.memory_space<vmem>> -> memref<4096xf32, #tpu.memory_space<vmem>>
      %dma_start3A_352 = tpu.memref_slice %arg4[%select_n3A_293, %add3A_349] : memref<200x131072xf32, #tpu.memory_space<hbm>> -> memref<1x4096xf32, #tpu.memory_space<hbm>>
      %dma_start3A_353 = tpu.memref_squeeze %dma_start3A_352 : memref<1x4096xf32, #tpu.memory_space<hbm>> -> memref<4096xf32, #tpu.memory_space<hbm>>
      %dma_start3A_354 = tpu.memref_slice %arg4[%select_n3A_293, %add3A_349] : memref<200x131072xf32, #tpu.memory_space<hbm>> -> memref<1x4096xf32, #tpu.memory_space<hbm>>
      %dma_start3A_355 = tpu.memref_squeeze %dma_start3A_354 : memref<1x4096xf32, #tpu.memory_space<hbm>> -> memref<4096xf32, #tpu.memory_space<hbm>>
      %dma_start3A_356 = arith.constant 12288 : i32
      %dma_start3A_357 = tpu.memref_slice %arg10[%dma_start3A_356] : memref<16384xf32, #tpu.memory_space<vmem>> -> memref<4096xf32, #tpu.memory_space<vmem>>
      tpu.enqueue_dma source(%dma_start3A_357 : memref<4096xf32, #tpu.memory_space<vmem>>) target(%dma_start3A_355 : memref<4096xf32, #tpu.memory_space<hbm>>) target_semaphore(%arg14 : memref<!tpu.dma_semaphore, #tpu.memory_space<semaphore_mem>>)
      %scan3A_358 = arith.constant 0 : i32
      scf.yield %scan3A_358 : i32
    }
    %scan3A_49 = arith.constant 25 : i32
    %dma_wait3A = arith.constant 0 : i32
    %dma_wait3A_50 = arith.constant 0 : i32
    %dma_wait3A_51 = tpu.memref_slice %arg4[%dma_wait3A, %dma_wait3A_50] : memref<200x131072xf32, #tpu.memory_space<hbm>> -> memref<1x16384xf32, #tpu.memory_space<hbm>>
    %dma_wait3A_52 = tpu.memref_squeeze %dma_wait3A_51 : memref<1x16384xf32, #tpu.memory_space<hbm>> -> memref<16384xf32, #tpu.memory_space<hbm>>
    %dma_wait3A_53 = arith.constant 0 : i32
    %dma_wait3A_54 = tpu.memref_slice %arg4[%dma_wait3A, %dma_wait3A_53] : memref<200x131072xf32, #tpu.memory_space<hbm>> -> memref<1x16384xf32, #tpu.memory_space<hbm>>
    %dma_wait3A_55 = tpu.memref_squeeze %dma_wait3A_54 : memref<1x16384xf32, #tpu.memory_space<hbm>> -> memref<16384xf32, #tpu.memory_space<hbm>>
    tpu.wait_dma2 semaphore(%arg13 : memref<!tpu.dma_semaphore, #tpu.memory_space<semaphore_mem>>) src(%dma_wait3A_55 : memref<16384xf32, #tpu.memory_space<hbm>>) dst(%arg9 : memref<16384xf32, #tpu.memory_space<vmem>>)
    %dma_wait3A_56 = arith.constant 0 : i32
    %dma_wait3A_57 = arith.constant 0 : i32
    %dma_wait3A_58 = tpu.memref_slice %arg4[%dma_wait3A_56, %dma_wait3A_57] : memref<200x131072xf32, #tpu.memory_space<hbm>> -> memref<1x16384xf32, #tpu.memory_space<hbm>>
    %dma_wait3A_59 = tpu.memref_squeeze %dma_wait3A_58 : memref<1x16384xf32, #tpu.memory_space<hbm>> -> memref<16384xf32, #tpu.memory_space<hbm>>
    %dma_wait3A_60 = arith.constant 0 : i32
    %dma_wait3A_61 = tpu.memref_slice %arg4[%dma_wait3A_56, %dma_wait3A_60] : memref<200x131072xf32, #tpu.memory_space<hbm>> -> memref<1x16384xf32, #tpu.memory_space<hbm>>
    %dma_wait3A_62 = tpu.memref_squeeze %dma_wait3A_61 : memref<1x16384xf32, #tpu.memory_space<hbm>> -> memref<16384xf32, #tpu.memory_space<hbm>>
    tpu.wait_dma2 semaphore(%arg14 : memref<!tpu.dma_semaphore, #tpu.memory_space<semaphore_mem>>) src(%dma_wait3A_62 : memref<16384xf32, #tpu.memory_space<hbm>>) dst(%arg10 : memref<16384xf32, #tpu.memory_space<vmem>>)
    return
  }
}

</mosaic_0001>

<sc_bundles>
// kernel: kernel.3.cloned.1.call-start
scs
__scs_entry_jumppad:
0x0: {  	(pc) =	sbr.rel $0x88, $3  }
0x1: {  	(tag) =	ssettag $0x0;
	lr =	simm.s32 $0x1  }
0x2: {  	[smem:$0x3F9F] =	sst lr;
	_ =	strace $0xD0000000  }
0x3: {  	_ = 	snop  }
0x4: {  	_ = 	snop  }
0x5: {  	_ = 	snop  }
0x6: {  	_ = 	snop  }
0x7: {  	_ = 	snop  }
__scs_overlays_trampoline_lowered:
0x8: {  	[smem:$0x3FAE] =	sst s0  }
0x9: {  	[smem:$0x3FAF] =	sst s1  }
0xa: {  	[smem:$0x3FB0] =	sst s2  }
0xb: {  	[smem:$0x3FB1] =	sst s3  }
0xc: {  	[smem:$0x3FB2] =	sst s4  }
0xd: {  	[smem:$0x3FB3] =	sst s5  }
0xe: {  	[smem:$0x3FB4] =	sst s6  }
0xf: {  	[smem:$0x3FB5] =	sst s7  }
0x10: {  	[smem:$0x3FB6] =	sst s8  }
0x11: {  	[smem:$0x3FB7] =	sst s9;
	s0 =	simm.s32 @!p0 $0x0  }
0x12: {  	s1 =	sld [smem:$0x3F9D];
	s0 =	simm.s32 @p0 $0x1  }
0x13: {  	[smem:$0x3FB8] =	sst s0;
	s0 =	simm.s32 @!p1 $0x0  }
0x14: {  	s2 =	sld [smem:$0x3F9C];
	s0 =	simm.s32 @p1 $0x1  }
0x15: {  	[smem:$0x3FB9] =	sst s0;
	s0 =	simm.s32 @!p2 $0x0  }
0x16: {  	s3 =	sld [smem:$0x3FDB];
	s0 =	simm.s32 @p2 $0x1  }
0x17: {  	s4 =	simm.s32 $0x1BF5;
	[smem:$0x3FBB] =	sst s0  }
0x18: {  	s0 =	sld [smem:$0x3F9E];
	_ =	swait.ge [sflag:s4], $0x0  }
0x19: {  	s7 =	sld [smem:$0x3F9F]  }
0x1a: {  	s8 =	sadd.s32 $0xFFFFE003, lr  }
0x1b: {  	s9 =	sadd.s32 $0xFFFFFEF7, lr;
	s5 =	simm.s32 $0xFFFFFFFF;
	p2 =	slt.u32 s8, $0xFFFFF086  }
0x1c: {  	p1 =	slt.u32 s9, $0xF7A;
	s5 =	simm.s32 @!p2 $0x0  }
0x1d: {  	s5 =	simm.s32 @p1 $0x1;
	p0 =	seq.s32 s7, s2  }
0x1e: {  	s7 =	smul.u32 @!p0 $0xF7A, s2;
	p2 =	seq.s32 @!p0 s5, $0x0  }
0x1f: {  	s9 =	smul.u32 $0xF7A, s1;
	s8 =	simm.s32 @!p0 $0x1BF5;
	p2 =	por !p2, p0  }
0x20: {  	[sflag:s8] =	ssyncset.s32 @!p0 $0xFFFFF086;
	s6 =	sadd.s32 @!p0 s3, s7;
	s7 =	simm.s32 @!p0 $0x108  }
0x21: {  	s3 =	sadd.s32 s3, s9;
	s6 =	sadd.s32 @!p0 $0x88, s6;
	s7 =	simm.s32 @p2 $0x1082  }
0x22: {  	[simem:s7], [sflag:s8] =	dma.local @!p0 [hbm:s6], $0xF7A  }
0x23: {  	s9 =	sor.u32 $0xD0000000, s2;
	s6 =	simm.s32 $0x108;
	_ =	swait.ge @!p0 [sflag:s8], $0x0  }
0x24: {  	s3 =	sadd.s32 $0x88, s3;
	s6 =	simm.s32 @!p1 $0x1082;
	[sflag:s4] =	ssyncset.s32 $0xFFFFF086  }
0x25: {  	[simem:s6], [sflag:s4] =	dma.local [hbm:s3], $0xF7A  }
0x26: {  	[smem:$0x3F9F] =	sst s1;
	(tag) =	ssettag s2;
	_ =	strace s9  }
0x27: {  	s1 =	sld [smem:$0x3FAF]  }
0x28: {  	s2 =	sld [smem:$0x3FB0]  }
0x29: {  	s4 =	sld [smem:$0x3FB2]  }
0x2a: {  	p0 =	seq.s32 s5, $0x0;
	s5 =	sld [smem:$0x3FB3]  }
0x2b: {  	s6 =	sld [smem:$0x3FB4]  }
0x2c: {  	s7 =	sld [smem:$0x3FB5]  }
0x2d: {  	s3 =	simm.s32 $0x108;
	s8 =	sld [smem:$0x3FB6]  }
0x2e: {  	s3 =	simm.s32 @!p0 $0x1082;
	s9 =	sld [smem:$0x3FB7]  }
0x2f: {  	lr =	sadd.s32 s0, s3;
	s0 =	sld [smem:$0x3FAE]  }
0x30: {  	s3 =	sld [smem:$0x3FB1]  }
0x31: {  	[smem:$0x3FBA] =	sst s10  }
0x32: {  	s10 =	sld [smem:$0x3FB8];
	_ =	sdelay $0x3  }
0x33: {  	p0 =	seq.s32 s10, $0x1;
	s10 =	sld [smem:$0x3FBA];
	_ =	sdelay $0x3  }
0x34: {  	[smem:$0x3FBA] =	sst s10  }
0x35: {  	s10 =	sld [smem:$0x3FB9];
	_ =	sdelay $0x3  }
0x36: {  	p1 =	seq.s32 s10, $0x1;
	s10 =	sld [smem:$0x3FBA];
	_ =	sdelay $0x3  }
0x37: {  	[smem:$0x3FBA] =	sst s10  }
0x38: {  	s10 =	sld [smem:$0x3FBB]  }
0x39: {  	_ = 	snop;
	(pc) =	sbr.ind lr, $3  }
0x3a: {  	_ = 	snop  }
0x3b: {  	_ = 	snop  }
0x3c: {  	p2 =	seq.s32 s10, $0x1;
	s10 =	sld [smem:$0x3FBA]  }
0x3d: {  	_ =	shalt  }
0x3e: {  	_ =	shalt  }
0x3f: {  	_ =	shalt  }
0x40: {  	_ =	shalt  }
0x41: {  	_ =	shalt  }
0x42: {  	_ =	shalt  }
0x43: {  	_ =	shalt  }
0x44: {  	_ =	shalt  }
0x45: {  	_ =	shalt  }
0x46: {  	_ =	shalt  }
0x47: {  	_ =	shalt  }
0x48: {  	_ =	shalt  }
0x49: {  	_ =	shalt  }
0x4a: {  	_ =	shalt  }
0x4b: {  	_ =	shalt  }
0x4c: {  	_ =	shalt  }
0x4d: {  	_ =	shalt  }
0x4e: {  	_ =	shalt  }
0x4f: {  	_ =	shalt  }
0x50: {  	_ =	shalt  }
0x51: {  	_ =	shalt  }
0x52: {  	_ =	shalt  }
0x53: {  	_ =	shalt  }
0x54: {  	_ =	shalt  }
0x55: {  	_ =	shalt  }
0x56: {  	_ =	shalt  }
0x57: {  	_ =	shalt  }
0x58: {  	_ =	shalt  }
0x59: {  	_ =	shalt  }
0x5a: {  	_ =	shalt  }
0x5b: {  	_ =	shalt  }
0x5c: {  	_ =	shalt  }
0x5d: {  	_ =	shalt  }
0x5e: {  	_ =	shalt  }
0x5f: {  	_ =	shalt  }
0x60: {  	_ =	shalt  }
0x61: {  	_ =	shalt  }
0x62: {  	_ =	shalt  }
0x63: {  	_ =	shalt  }
0x64: {  	_ =	shalt  }
0x65: {  	_ =	shalt  }
0x66: {  	_ =	shalt  }
0x67: {  	_ =	shalt  }
0x68: {  	_ =	shalt  }
0x69: {  	_ =	shalt  }
0x6a: {  	_ =	shalt  }
0x6b: {  	_ =	shalt  }
0x6c: {  	_ =	shalt  }
0x6d: {  	_ =	shalt  }
0x6e: {  	_ =	shalt  }
0x6f: {  	_ =	shalt  }
0x70: {  	_ =	shalt  }
0x71: {  	_ =	shalt  }
0x72: {  	_ =	shalt  }
0x73: {  	_ =	shalt  }
0x74: {  	_ =	shalt  }
0x75: {  	_ =	shalt  }
0x76: {  	_ =	shalt  }
0x77: {  	_ =	shalt  }
0x78: {  	_ =	shalt  }
0x79: {  	_ =	shalt  }
0x7a: {  	_ =	shalt  }
0x7b: {  	_ =	shalt  }
0x7c: {  	_ =	shalt  }
0x7d: {  	_ =	shalt  }
0x7e: {  	_ =	shalt  }
0x7f: {  	_ =	shalt  }
0x80: {  	_ =	shalt  }
0x81: {  	_ =	shalt  }
0x82: {  	_ =	shalt  }
0x83: {  	_ =	shalt  }
0x84: {  	_ =	shalt  }
0x85: {  	_ =	shalt  }
0x86: {  	_ =	shalt  }
0x87: {  	_ =	shalt  }
.Lfunc_end0:
.L_simem_size_0:
called_computation_lowered:
.L_overlay_start_0:
0x88: {  	s2 =	sld [smem:$0x3FD9]  }
0x89: {  	s3 =	sld [smem:$0x3FFE];
	_ =	sdelay $0x1  }
0x8a: {  	s1 =	srdreg.scid  }
0x8b: {  	s0 =	sand.u32 $0x1, s1  }
0x8c: {  	s17 =	sshll.u32 s0, $0xA;
	s2 =	sadd.s32 s3, s2  }
0x8d: {  	s2 =	sadd.s32 s2, s17  }
0x8e: {  	[smem:$0x3FC6] =	sst s2  }
0x8f: {  	_ = 	snop  }
0x90: {  	s2 =	sld [smem:$0x3FD0];
	(tm) =	ssettm $0x1  }
0x91: {  	s18 =	sld [smem:$0x3FFB];
	_ =	sdelay $0x3  }
0x92: {  	_ =	strace s18  }
0x93: {  	s3 =	sld [smem:$0x3FFC];
	_ =	sdelay $0x3  }
0x94: {  	_ =	strace s3  }
0x95: {  	s3 =	sld [smem:$0x3FFD];
	_ =	sdelay $0x3  }
0x96: {  	_ =	strace s3  }
0x97: {  	_ =	strace $0x8FFFFFFF  }
0x98: {  	s19 =	sld [smem:$0x3FDB];
	_ =	sdelay $0x1  }
0x99: {  	s4 =	simm.s32 $_scs_section_size  }
0x9a: {  	s5 =	simm.s32 $_size__tile_overlayer_lowered;
	s6 =	simm.s32 $_tile_overlayer_lowered  }
0x9b: {  	s22 =	simm.s32 $0x1BFF;
	s21 =	sshll.u32 s6, $0x1;
	s3 =	sadd.s32 s4, s19  }
0x9c: {  	s7 =	simm.s32 $0x0;
	s20 =	sshll.u32 s5, $0x1;
	s5 =	sadd.s32 s21, s3  }
0x9d: {  	[timem:s7], [sflag:s22] =	dma.local [hbm:s5], s20  }
0x9e: {  	_ =	swait.ge [sflag:s22], s20  }
0x9f: {  	s4 =	ssub.s32 $0x0, s20;
	[sflag:s22] =	ssyncset.done $0x0  }
0xa0: {  	[sflag:s22] =	ssyncadd.s32 s4;
	_ =	sdelay $0x1  }
0xa1: {  	s23 =	simm.s32 $0x1B8B  }
0xa2: {  	_ =	swait.ge [sflag:s23], $0x1  }
0xa3: {  	[sflag:s23] =	ssyncset.done $0x0  }
0xa4: {  	s25 =	simm.s32 $0x1B8E;
	s24 =	sld [smem:$0x3FFE];
	[sflag:s23] =	ssyncadd.s32 $0xFFFFFFFF  }
0xa5: {  	s26 =	simm.s32 $execute0_lowered;
	[smem:$0x3FD2] =	sst s25  }
0xa6: {  	s5 =	sshll.u32 s26, $0x1;
	_ =	strace $0x80000046;
	[dreg:$0x1] =	wrdreg $0xFFFFFFFF  }
0xa7: {  	s28 =	simm.s32 $_size_execute0_lowered;
	s3 =	sadd.s32 s3, s5;
	[dreg:$0x0] =	wrdreg $0x0  }
0xa8: {  	s5 =	sshll.u32 s28, $0x1;
	[dreg:$0x2] =	wrdreg s3  }
0xa9: {  	[dreg:$0x3] =	wrdreg s5  }
0xaa: {  	[dreg:$0x4] =	wrdreg $0xC0  }
0xab: {  	_ =	task [dreg:s7], $0x5FFFF  }
0xac: {  	[dreg:$0x1] =	wrdreg $0xFFFFFFFF  }
0xad: {  	[dreg:$0x0] =	wrdreg $0x60  }
0xae: {  	[dreg:$0x2] =	wrdreg s24  }
0xaf: {  	[dreg:$0x3] =	wrdreg s2  }
0xb0: {  	[dreg:$0x4] =	wrdreg $0x9  }
0xb1: {  	_ =	task.clear_ibuf [dreg:s7], $0x5FFFF;
	_ =	strace $0x90000046  }
0xb2: {  	s29 =	simm.s32 $0x9;
	_ =	strace $0x80000048  }
0xb3: {  	_ =	swait.ge [sflag:s29], $0x1  }
0xb4: {  	[sflag:s29] =	ssyncadd.s32 $0xFFFFFFFF  }
0xb5: {  	_ =	strace $0x90000048  }
0xb6: {  	_ =	sfence  }
0xb7: {  	s30 =	sld [smem:$0x0];
	_ =	sdelay $0x2  }
0xb8: {  	s31 =	sshll.u32 s1, $0xD;
	s1 =	sshrl.u32 s1, $0x2  }
0xb9: {  	s3 =	sand.u32 $0x4000, s31;
	s1 =	sadd.s32 s1, s30  }
0xba: {  	s0 =	sor.u32 s3, s0;
	s1 =	sshll.u32 s1, $0x11  }
0xbb: {  	s0 =	sor.u32 s1, s0  }
0xbc: {  	s0 =	sadd.s32 $0x8F2B, s0  }
0xbd: {  	[sflag:s0] =	ssyncadd.remote.s32 $0x1  }
0xbe: {  	_ =	sfence.sel $0xFFFF  }
0xbf: {  	[dreg:$0x0] =	wrdreg $0xFFFFFFFF;
	(pc) =	sbr.abs _section_cstart, $3  }
0xc0: {  	[dreg:$0x1] =	wrdreg $0xFFFFFFFF  }
0xc1: {  	_ =	task.clear_ibuf [dreg:s7], $0x2FFFF;
	_ =	strace $0x9FFFFFFF  }
0xc2: {  	(tm) =	ssettm $0x7FFFFFFF  }
0xc3: {  	_ =	shalt  }
tec
execute0_lowered:
.L_overlay_start_1:
0x0: {  	(tag) =	ssettag $0x1  }
0x1: {  	s0 =	rddreg [dreg:$0x0]  }
0x2: {  	s1 =	srdreg.scid;
	s3 =	stileid.u32  }
0x3: {  	s2 =	rddreg [dreg:$0x1];
	s9 =	simm.s32 $0x80;
	s20 =	simm.s32 $0x1  }
0x4: {  	s21 =	simm.s32 $0xE400;
	s28 =	simm.s32 $0x4;
	s29 =	simm.s32 $0x16420  }
0x5: {  	s30 =	simm.s32 $0x17420;
	s1 =	sand.u32 $0x1, s1;
	s4 =	sshll.u32 s3, $0x1  }
0x6: {  	s31 =	simm.s32 $0x18420;
	s3 =	simm.s32 $0x0;
	s5 =	sor.u32 s1, s4  }
0x7: {  	[smem:$0x7FF] =	sst s3;
	s1 =	ssub.s32 $0x2, s1;
	s4 =	smul.u32 $0xC80, s5  }
.Ltmp0:
0x8: {  	_ =	strace $0x80000047;
	s25 =	sshrl.u32 s1, $0x1;
	(pc) =	sbr.rel .LBB2_1-.Ltmp0, $4  }
0x9: {  	v1 =	vlaneseq.u32;
	s5 =	smul.u32 $0x32, s5;
	s6 =	sadd.s32 s4, s0;
	s4 =	sadd.s32 $0xF42A00, s0  }
0xa: {  	v0 =	vmul.u32 $0x201, v1;
	s0 =	ssub.s32 s1, s25;
	s25 =	simm.s32 $0x15420;
	s26 =	sadd.s32 $0x600, s6  }
0xb: {  	s1 =	simm.s32 $0x19420;
	s0 =	smax.u32 s0, $0x1;
	[dreg:$0x3] =	wrdreg s26  }
0xc: {  	v1 =	vand.u32 $0x7, v1;
	v2 =	vadd.s32 $0x2010, v0;
	s6 =	simm.s32 $0x0;
	[dreg:$0x4] =	wrdreg s0;
	s26 =	simm.s32 $0x2  }
.LBB2_27:
0xd: {  	s0 =	simm.s32 $0x3  }
0xe: {  	_ =	swait.ge [sflag:s0], $0x4000  }
0xf: {  	[sflag:s0] =	ssyncset.done $0x0  }
0x10: {  	[sflag:s0] =	ssyncadd.s32 $0xFFFFC000  }
0x11: {  	_ =	swait.ge [sflag:s28], $0x4000  }
0x12: {  	s6 =	rddreg [dreg:$0x5]  }
0x13: {  	s24 =	rddreg [dreg:$0x4];
	s6 =	sadd.s32 $0x1, s6  }
0x14: {  	p0 =	sne.s32 s6, s24  }
.Ltmp1:
0x15: {  	_ = 	snop;
	(pc) =	sbr.rel @!p0 .LBB2_28-.Ltmp1, $3  }
0x16: {  	_ =	sdelay $0x1  }
0x17: {  	[sflag:s28] =	ssyncset.done $0x0  }
0x18: {  	[sflag:s28] =	ssyncadd.s32 $0xFFFFC000  }
.LBB2_1:
0x19: {  	[dreg:$0x5] =	wrdreg s6  }
0x1a: {  	s0 =	rddreg [dreg:$0x3];
	s16 =	simm.s32 $0x5  }
0x1b: {  	[tilespmem:s3], [sflag:$0x5] =	stream.linear.gather [hbm4b:s0+s3], $0x6400, $0x38;
	[tilespmem:$0x1A420] =	vst v63  }
0x1c: {  	_ =	swait.ge [sflag:s16], $0x6400  }
0x1d: {  	[sflag:s16] =	ssyncset.done $0x0  }
0x1e: {  	s17 =	simm.s32 $0x6400;
	[sflag:s16] =	ssyncadd.s32 $0xFFFF9C00  }
0x1f: {  	[tilespmem:s17], [sflag:$0x1] =	stream.indirect.gather [hbm4b:s4+s9], $0x20, s3, s9, $0xb8;
	[tilespmem:$0x1A420] =	vst v63  }
0x20: {  	s18 =	simm.s32 $0x7400  }
0x21: {  	[tilespmem:s18], [sflag:$0x1] =	stream.indirect.gather [hbm4b:s4+s9], $0x20, s9, s9, $0xb8;
	[tilespmem:$0x1A420] =	vst v63  }
0x22: {  	s19 =	simm.s32 $0x100;
	s22 =	simm.s32 $0x8400  }
0x23: {  	[tilespmem:s22], [sflag:$0x1] =	stream.indirect.gather [hbm4b:s4+s9], $0x20, s19, s9, $0xb8;
	[tilespmem:$0x1A420] =	vst v63  }
0x24: {  	s23 =	simm.s32 $0x180;
	s24 =	simm.s32 $0x9400;
	s14 =	simm.s32 $0x0  }
0x25: {  	[tilespmem:s24], [sflag:$0x1] =	stream.indirect.gather [hbm4b:s4+s9], $0x20, s23, s9, $0xb8;
	[tilespmem:$0x1A420] =	vst v63  }
.LBB2_2:
0x26: {  	s6 =	sshllo.u32 s14, $0x1  }
0x27: {  	s0 =	sshll.u32 s6, $0x9  }
0x28: {  	s7 =	simm.s32 $0xA400;
	s0 =	sand.u32 $0x3FFFFE00, s0  }
0x29: {  	[tilespmem:s7], [sflag:$0x2] =	stream.indirect.gather [hbm4b:s4+s9], $0x20, s0, s9, $0xb8;
	[tilespmem:$0x1A420] =	vst v63  }
0x2a: {  	s8 =	simm.s32 $0xB400;
	s18 =	sor.u32 $0x80, s0  }
0x2b: {  	[tilespmem:s8], [sflag:$0x2] =	stream.indirect.gather [hbm4b:s4+s9], $0x20, s18, s9, $0xb8;
	[tilespmem:$0x1A420] =	vst v63  }
0x2c: {  	s22 =	simm.s32 $0xC400;
	s19 =	sor.u32 $0x100, s0  }
0x2d: {  	[tilespmem:s22], [sflag:$0x2] =	stream.indirect.gather [hbm4b:s4+s9], $0x20, s19, s9, $0xb8;
	[tilespmem:$0x1A420] =	vst v63  }
0x2e: {  	s23 =	simm.s32 $0xD400;
	s0 =	sor.u32 $0x180, s0  }
0x2f: {  	[tilespmem:s23], [sflag:$0x2] =	stream.indirect.gather [hbm4b:s4+s9], $0x20, s0, s9, $0xb8;
	[tilespmem:$0x1A420] =	vst v63  }
0x30: {  	_ =	swait.ge [sflag:s20], $0x4000  }
0x31: {  	p0 =	seq.s32 s14, $0x0;
	[sflag:s20] =	ssyncset.done $0x0  }
0x32: {  	s0 =	simm.s32 @!p0 $0x3;
	[sflag:s20] =	ssyncadd.s32 $0xFFFFC000  }
0x33: {  	_ =	swait.ge @!p0 [sflag:s0], $0x4000  }
0x34: {  	[sflag:s0] =	ssyncset.done @!p0 $0x0  }
0x35: {  	s24 =	simm.s32 $0x6480;
	[sflag:s0] =	ssyncadd.s32 @!p0 $0xFFFFC000  }
0x36: {  	v3 =	vld [tilespmem:s24+$0x60]  }
0x37: {  	s0 =	simm.s32 $0x7;
	v6 =	vld [tilespmem:s24+$0xFFFFFFA0]  }
0x38: {  	s12 =	simm.s32 $0x1;
	v10 =	vld [tilespmem:s24+$0xFFFFFFC0];
	v11 =	vadd.s32 s0, v0  }
0x39: {  	s13 =	simm.s32 $0x2;
	v12 =	vadd.s32 s12, v0;
	v14 =	vld [tilespmem:s24+$0xFFFFFFE0]  }
0x3a: {  	s15 =	simm.s32 $0x3;
	v7 =	vadd.s32 s13, v0;
	v5 =	vld [tilespmem:s24+$0x0]  }
0x3b: {  	s11 =	simm.s32 $0x4;
	v8 =	vadd.s32 s15, v0;
	v4 =	vld [tilespmem:s24+$0x20];
	v15 =	vmul.f32 $5.656854150e+00, v3  }
0x3c: {  	s10 =	simm.s32 $0x0;
	s17 =	simm.s32 $0x5;
	v9 =	vld [tilespmem:s24+$0x40];
	v16 =	vmul.f32 $5.656854150e+00, v6;
	v6 =	vadd.s32 s11, v0  }
0x3d: {  	s16 =	simm.s32 $0x6;
	v17 =	vadd.s32 s10, v0;
	s7 =	sshll.u32 s14, $0x1;
	s18 =	simm.s32 $0x6580;
	v3 =	vld [tilespmem:s24+$0xFFFFFF80];
	v13 =	vmul.f32 $5.656854150e+00, v10;
	v10 =	vadd.s32 s17, v0;
	[tilespmem:v11+s21+$0x0] =	vst.idx.msk $0xffff, v15  }
0x3e: {  	s8 =	simm.s32 $0x8;
	s22 =	simm.s32 $0x10;
	s19 =	simm.s32 $0x8;
	v14 =	vmul.f32 $5.656854150e+00, v14;
	v11 =	vld [tilespmem:s18+$0x60];
	v15 =	vand.u32 $0x3FF8, v17;
	[tilespmem:v12+s21+$0x0] =	vst.idx.msk $0xffff, v16;
	v12 =	vadd.s32 s16, v0  }
.LBB2_3:
0x3f: {  	p1 =	slt.u32 s22, $0x1F8;
	v16 =	vld [tilespmem:s18+$0xFFFFFFA0];
	s23 =	sadd.s32 $0x7, s19;
	v15 =	vor.u32 v1, v15;
	[tilespmem:v7+s21+$0x0] =	vst.idx.msk $0xffff, v13;
	v5 =	vmul.f32 $5.656854150e+00, v5  }
0x40: {  	s24 =	sadd.s32 $0x1, s19;
	v13 =	vld [tilespmem:s18+$0xFFFFFFC0];
	v17 =	vadd.s32 s23, v0;
	[tilespmem:v8+s21+$0x0] =	vst.idx.msk $0xffff, v14;
	v4 =	vmul.f32 $5.656854150e+00, v4  }
0x41: {  	v14 =	vadd.s32 s24, v0;
	s23 =	sadd.s32 $0x2, s19;
	v18 =	vld [tilespmem:s18+$0xFFFFFFE0];
	[tilespmem:v6+s21+$0x0] =	vst.idx.msk $0xffff, v5;
	v6 =	vmul.f32 $5.656854150e+00, v9  }
.Ltmp2:
0x42: {  	v7 =	vadd.s32 s23, v0;
	s23 =	sadd.s32 $0x3, s19;
	v5 =	vld [tilespmem:s18+$0x0];
	v3 =	vmul.f32 $5.656854150e+00, v3;
	[tilespmem:v10+s21+$0x0] =	vst.idx.msk $0xffff, v4;
	(pc) =	sbr.rel @p1 .LBB2_3-.Ltmp2, $4  }
0x43: {  	v8 =	vadd.s32 s23, v0;
	s23 =	sadd.s32 $0x4, s19;
	v4 =	vld [tilespmem:s18+$0x20];
	v11 =	vmul.f32 $5.656854150e+00, v11;
	[tilespmem:v12+s21+$0x0] =	vst.idx.msk $0xffff, v6  }
0x44: {  	v6 =	vadd.s32 s23, v0;
	s23 =	sadd.s32 $0x5, s19;
	v12 =	vmul.f32 $5.656854150e+00, v16;
	v9 =	vld [tilespmem:s18+$0x40];
	[tilespmem:v15+s21+$0x0] =	vst.idx.msk $0xffff, v3  }
0x45: {  	v15 =	vadd.s32 s19, v0;
	v10 =	vadd.s32 s23, v0;
	s19 =	sadd.s32 $0x6, s19;
	v3 =	vld [tilespmem:s18+$0xFFFFFF80];
	v13 =	vmul.f32 $5.656854150e+00, v13;
	[tilespmem:v17+s21+$0x0] =	vst.idx.msk $0xffff, v11;
	s18 =	sadd.s32 $0x100, s18  }
0x46: {  	v15 =	vand.u32 $0x3FF8, v15;
	v11 =	vld [tilespmem:s18+$0x60];
	[tilespmem:v14+s21+$0x0] =	vst.idx.msk $0xffff, v12;
	v14 =	vmul.f32 $5.656854150e+00, v18;
	v12 =	vadd.s32 s19, v0;
	s19 =	smov.u32 s22;
	s22 =	sadd.s32 $0x8, s22  }
0x47: {  	_ =	sdelay $0x3  }
0x48: {  	v16 =	vld [tilespmem:s18+$0xFFFFFFA0];
	s22 =	sadd.s32 $0x7, s19;
	v15 =	vor.u32 v1, v15;
	[tilespmem:v7+s21+$0x0] =	vst.idx.msk $0xffff, v13;
	v5 =	vmul.f32 $5.656854150e+00, v5  }
0x49: {  	s23 =	sadd.s32 $0x1, s19;
	v7 =	vld [tilespmem:s18+$0xFFFFFFC0];
	v13 =	vadd.s32 s22, v0;
	[tilespmem:v8+s21+$0x0] =	vst.idx.msk $0xffff, v14;
	v4 =	vmul.f32 $5.656854150e+00, v4  }
0x4a: {  	v8 =	vadd.s32 s23, v0;
	s23 =	sadd.s32 $0x2, s19;
	v14 =	vld [tilespmem:s18+$0xFFFFFFE0];
	[tilespmem:v6+s21+$0x0] =	vst.idx.msk $0xffff, v5;
	v5 =	vmul.f32 $5.656854150e+00, v9  }
0x4b: {  	s24 =	sadd.s32 $0x3, s19;
	v6 =	vadd.s32 s23, v0;
	v9 =	vld [tilespmem:s18+$0x0];
	v3 =	vmul.f32 $5.656854150e+00, v3;
	[tilespmem:v10+s21+$0x0] =	vst.idx.msk $0xffff, v4  }
0x4c: {  	s23 =	sadd.s32 $0x4, s19;
	v4 =	vadd.s32 s24, v0;
	v10 =	vld [tilespmem:s18+$0x20];
	v11 =	vmul.f32 $5.656854150e+00, v11;
	[tilespmem:v12+s21+$0x0] =	vst.idx.msk $0xffff, v5  }
0x4d: {  	s24 =	sadd.s32 $0x5, s19;
	v12 =	vadd.s32 s23, v0;
	v5 =	vmul.f32 $5.656854150e+00, v16;
	v16 =	vld [tilespmem:s18+$0x40];
	[tilespmem:v15+s21+$0x0] =	vst.idx.msk $0xffff, v3  }
0x4e: {  	v17 =	vadd.s32 s24, v0;
	s23 =	sadd.s32 $0x6, s19;
	v3 =	vld [tilespmem:s18+$0xFFFFFF80];
	v15 =	vadd.s32 s19, v0;
	v7 =	vmul.f32 $5.656854150e+00, v7;
	[tilespmem:v13+s21+$0x0] =	vst.idx.msk $0xffff, v11  }
0x4f: {  	v11 =	vand.u32 $0x3FF8, v15;
	[tilespmem:v8+s21+$0x0] =	vst.idx.msk $0xffff, v5;
	v5 =	vmul.f32 $5.656854150e+00, v14;
	v8 =	vadd.s32 s23, v0  }
0x50: {  	v11 =	vor.u32 v1, v11;
	[tilespmem:v6+s21+$0x0] =	vst.idx.msk $0xffff, v7;
	v6 =	vmul.f32 $5.656854150e+00, v9  }
0x51: {  	[tilespmem:v4+s21+$0x0] =	vst.idx.msk $0xffff, v5;
	v4 =	vmul.f32 $5.656854150e+00, v10  }
0x52: {  	[tilespmem:v12+s21+$0x0] =	vst.idx.msk $0xffff, v6;
	v5 =	vmul.f32 $5.656854150e+00, v16  }
0x53: {  	v3 =	vmul.f32 $5.656854150e+00, v3;
	[tilespmem:v17+s21+$0x0] =	vst.idx.msk $0xffff, v4  }
0x54: {  	[tilespmem:v8+s21+$0x0] =	vst.idx.msk $0xffff, v5  }
0x55: {  	s24 =	simm.s32 $0x6490;
	[tilespmem:v11+s21+$0x0] =	vst.idx.msk $0xffff, v3  }
0x56: {  	v3 =	vld [tilespmem:s24+$0x60]  }
0x57: {  	v4 =	vld [tilespmem:s24+$0xFFFFFFA0]  }
0x58: {  	v12 =	vadd.s32 s0, v2;
	v7 =	vld [tilespmem:s24+$0xFFFFFFC0]  }
0x59: {  	v14 =	vadd.s32 s12, v2;
	v16 =	vld [tilespmem:s24+$0xFFFFFFE0]  }
0x5a: {  	v11 =	vadd.s32 s13, v2;
	v10 =	vld [tilespmem:s24+$0x0]  }
0x5b: {  	v9 =	vadd.s32 s15, v2;
	v5 =	vld [tilespmem:s24+$0x20];
	v15 =	vmul.f32 $5.656854150e+00, v3  }
0x5c: {  	v6 =	vadd.s32 s11, v2;
	v8 =	vld [tilespmem:s24+$0x40];
	v17 =	vmul.f32 $5.656854150e+00, v4  }
0x5d: {  	v18 =	vadd.s32 s10, v2;
	s0 =	simm.s32 $0x6590;
	v3 =	vld [tilespmem:s24+$0xFFFFFF80];
	v13 =	vmul.f32 $5.656854150e+00, v7;
	v7 =	vadd.s32 s17, v2;
	[tilespmem:v12+s21+$0x0] =	vst.idx.msk $0xffff, v15  }
0x5e: {  	s10 =	simm.s32 $0x10;
	v4 =	vld [tilespmem:s0+$0x60];
	v15 =	vand.u32 $0x7FF8, v18;
	[tilespmem:v14+s21+$0x0] =	vst.idx.msk $0xffff, v17;
	v14 =	vmul.f32 $5.656854150e+00, v16;
	v12 =	vadd.s32 s16, v2  }
.LBB2_5:
0x5f: {  	p1 =	slt.u32 s10, $0x1F8;
	v16 =	vld [tilespmem:s0+$0xFFFFFFA0];
	s11 =	sadd.s32 $0x7, s8;
	v15 =	vor.u32 v1, v15;
	[tilespmem:v11+s21+$0x0] =	vst.idx.msk $0xffff, v13;
	v10 =	vmul.f32 $5.656854150e+00, v10  }
0x60: {  	s12 =	sadd.s32 $0x1, s8;
	v13 =	vld [tilespmem:s0+$0xFFFFFFC0];
	v17 =	vadd.s32 s11, v2;
	[tilespmem:v9+s21+$0x0] =	vst.idx.msk $0xffff, v14;
	v5 =	vmul.f32 $5.656854150e+00, v5  }
0x61: {  	v14 =	vadd.s32 s12, v2;
	s11 =	sadd.s32 $0x2, s8;
	v18 =	vld [tilespmem:s0+$0xFFFFFFE0];
	[tilespmem:v6+s21+$0x0] =	vst.idx.msk $0xffff, v10;
	v6 =	vmul.f32 $5.656854150e+00, v8  }
.Ltmp3:
0x62: {  	v11 =	vadd.s32 s11, v2;
	s11 =	sadd.s32 $0x3, s8;
	v10 =	vld [tilespmem:s0+$0x0];
	v3 =	vmul.f32 $5.656854150e+00, v3;
	[tilespmem:v7+s21+$0x0] =	vst.idx.msk $0xffff, v5;
	(pc) =	sbr.rel @p1 .LBB2_5-.Ltmp3, $4  }
0x63: {  	v9 =	vadd.s32 s11, v2;
	s11 =	sadd.s32 $0x4, s8;
	v5 =	vld [tilespmem:s0+$0x20];
	v4 =	vmul.f32 $5.656854150e+00, v4;
	[tilespmem:v12+s21+$0x0] =	vst.idx.msk $0xffff, v6  }
0x64: {  	v6 =	vadd.s32 s11, v2;
	s11 =	sadd.s32 $0x5, s8;
	v12 =	vmul.f32 $5.656854150e+00, v16;
	v8 =	vld [tilespmem:s0+$0x40];
	[tilespmem:v15+s21+$0x0] =	vst.idx.msk $0xffff, v3  }
0x65: {  	v15 =	vadd.s32 s8, v2;
	v7 =	vadd.s32 s11, v2;
	s8 =	sadd.s32 $0x6, s8;
	v3 =	vld [tilespmem:s0+$0xFFFFFF80];
	v13 =	vmul.f32 $5.656854150e+00, v13;
	[tilespmem:v17+s21+$0x0] =	vst.idx.msk $0xffff, v4;
	s0 =	sadd.s32 $0x100, s0  }
0x66: {  	v15 =	vand.u32 $0x7FF8, v15;
	v4 =	vld [tilespmem:s0+$0x60];
	[tilespmem:v14+s21+$0x0] =	vst.idx.msk $0xffff, v12;
	v14 =	vmul.f32 $5.656854150e+00, v18;
	v12 =	vadd.s32 s8, v2;
	s8 =	smov.u32 s10;
	s10 =	sadd.s32 $0x8, s10  }
0x67: {  	_ =	sdelay $0x3  }
0x68: {  	v16 =	vld [tilespmem:s0+$0xFFFFFFA0];
	s10 =	sadd.s32 $0x7, s8;
	v15 =	vor.u32 v1, v15;
	[tilespmem:v11+s21+$0x0] =	vst.idx.msk $0xffff, v13;
	v10 =	vmul.f32 $5.656854150e+00, v10  }
0x69: {  	s11 =	sadd.s32 $0x1, s8;
	v53 =	vld [tilespmem:s0+$0xFFFFFFC0];
	v54 =	vadd.s32 s10, v2;
	[tilespmem:v9+s21+$0x0] =	vst.idx.msk $0xffff, v14;
	v5 =	vmul.f32 $5.656854150e+00, v5  }
0x6a: {  	s15 =	sadd.s32 $0x2, s8;
	v56 =	vld [tilespmem:s0+$0xFFFFFFE0];
	v55 =	vadd.s32 s11, v2;
	[tilespmem:v6+s21+$0x0] =	vst.idx.msk $0xffff, v10;
	v6 =	vmul.f32 $5.656854150e+00, v8  }
0x6b: {  	s16 =	sadd.s32 $0x3, s8;
	v58 =	vld [tilespmem:s0+$0x0];
	v57 =	vadd.s32 s15, v2;
	v3 =	vmul.f32 $5.656854150e+00, v3;
	[tilespmem:v7+s21+$0x0] =	vst.idx.msk $0xffff, v5  }
0x6c: {  	s17 =	sadd.s32 $0x4, s8;
	v5 =	vadd.s32 s16, v2;
	v7 =	vld [tilespmem:s0+$0x20];
	v4 =	vmul.f32 $5.656854150e+00, v4;
	[tilespmem:v12+s21+$0x0] =	vst.idx.msk $0xffff, v6  }
0x6d: {  	s18 =	sadd.s32 $0x5, s8;
	v60 =	vld [tilespmem:s0+$0x40];
	v59 =	vadd.s32 s17, v2;
	v6 =	vmul.f32 $5.656854150e+00, v16;
	[tilespmem:v15+s21+$0x0] =	vst.idx.msk $0xffff, v3  }
0x6e: {  	v61 =	vadd.s32 s8, v2;
	s19 =	sadd.s32 $0x6, s8;
	v17 =	vadd.s32 s18, v2;
	v3 =	vld [tilespmem:s0+$0xFFFFFF80];
	v11 =	vmul.f32 $5.656854150e+00, v53;
	[tilespmem:v54+s21+$0x0] =	vst.idx.msk $0xffff, v4  }
0x6f: {  	v62 =	vadd.s32 s19, v2;
	v4 =	vand.u32 $0x7FF8, v61;
	[tilespmem:v55+s21+$0x0] =	vst.idx.msk $0xffff, v6;
	v6 =	vmul.f32 $5.656854150e+00, v56  }
0x70: {  	v63 =	vmul.f32 $5.656854150e+00, v58;
	v4 =	vor.u32 v1, v4;
	[tilespmem:v57+s21+$0x0] =	vst.idx.msk $0xffff, v11  }
0x71: {  	s22 =	simm.s32 $0x0;
	[tilespmem:v5+s21+$0x0] =	vst.idx.msk $0xffff, v6;
	v5 =	vmul.f32 $5.656854150e+00, v7  }
0x72: {  	s23 =	simm.s32 $0x0;
	p2 =	por $0x1, $0x1;
	s0 =	smul.u32 $0x804, s22;
	[tilespmem:v59+s21+$0x0] =	vst.idx.msk $0xffff, v63;
	v6 =	vmul.f32 $5.656854150e+00, v60  }
.Ltmp4:
0x73: {  	s8 =	sand.u32 $0x18, s23;
	v3 =	vmul.f32 $5.656854150e+00, v3;
	[tilespmem:v17+s21+$0x0] =	vst.idx.msk $0xffff, v5;
	(pc) =	sbr.rel @!p2 .LBB2_7-.Ltmp4, $4  }
0x74: {  	s24 =	sshll.u32 s8, $0x4;
	s0 =	sshra.s32 s0, $0x2;
	[tilespmem:v62+s21+$0x0] =	vst.idx.msk $0xffff, v6  }
0x75: {  	s11 =	sadd.s32 s24, s0;
	[tilespmem:v4+s21+$0x0] =	vst.idx.msk $0xffff, v3  }
0x76: {  	s12 =	simm.s32 $0x0;
	s13 =	simm.s32 $0x0;
	v3 =	vld [tilespmem:s11+$0xE470]  }
0x77: {  	p1 =	por $0x0, $0x0;
	s12 =	sand.u32 $0x3000, s12;
	s15 =	sshll.u32 s8, $0x7;
	v4 =	vld [tilespmem:s11+$0xE400]  }
0x78: {  	s0 =	sand.u32 $0x380, s13;
	s8 =	sor.u32 s15, s12;
	v7 =	vld [tilespmem:s11+$0xE410]  }
0x79: {  	s10 =	simm.s32 $0x0;
	v8 =	vld [tilespmem:s11+$0xE420];
	p2 =	por $0x1, $0x1;
	s12 =	sor.u32 s0, s8  }
0x7a: {  	v9 =	vld [tilespmem:s11+$0xE430];
	s8 =	simm.s32 $0x8;
	s10 =	smul.u32 $0x804, s10;
	s0 =	sadd.s32 $0x12420, s12  }
.Ltmp5:
0x7b: {  	v5 =	vld [tilespmem:s11+$0xE440];
	s23 =	sand.u32 $0x18, s8;
	[tilespmem:s0+$0x70] =	vst v3;
	(pc) =	sbr.rel @!p2 .LBB2_9-.Ltmp5, $4  }
0x7c: {  	v6 =	vld [tilespmem:s11+$0xE450];
	s10 =	sshra.s32 s10, $0x2;
	s24 =	sshll.u32 s23, $0x4;
	[tilespmem:s12+$0x12420] =	vst v4  }
0x7d: {  	s10 =	sadd.s32 s24, s10;
	[tilespmem:s0+$0x10] =	vst v7;
	v7 =	vld [tilespmem:s11+$0xE460]  }
0x7e: {  	s13 =	simm.s32 $0x20;
	s11 =	simm.s32 $0x80;
	v3 =	vld [tilespmem:s10+$0xE470];
	[tilespmem:s0+$0x20] =	vst v8  }
0x7f: {  	p1 =	por $0x1, $0x1;
	s15 =	sshll.u32 s23, $0x7;
	v4 =	vld [tilespmem:s10+$0xE400];
	[tilespmem:s0+$0x30] =	vst v9;
	s12 =	sand.u32 $0x3000, s11  }
.LBB2_10:
0x80: {  	s8 =	sadd.s32 $0x8, s8;
	s13 =	sand.u32 $0x380, s13;
	s12 =	sor.u32 s15, s12;
	v8 =	vld [tilespmem:s10+$0xE410];
	[tilespmem:s0+$0x40] =	vst v5  }
0x81: {  	s15 =	sshrl.u32 s8, $0x5;
	p2 =	slt.u32 s8, $0x3F8;
	s12 =	sor.u32 s13, s12;
	v9 =	vld [tilespmem:s10+$0xE420];
	[tilespmem:s0+$0x50] =	vst v6  }
0x82: {  	s13 =	smul.u32 $0x804, s15;
	v10 =	vld [tilespmem:s10+$0xE430];
	[tilespmem:s0+$0x60] =	vst v7;
	s0 =	sadd.s32 $0x12420, s12  }
.Ltmp6:
0x83: {  	s15 =	sand.u32 $0x18, s8;
	v5 =	vld [tilespmem:s10+$0xE440];
	[tilespmem:s0+$0x70] =	vst v3;
	(pc) =	sbr.rel @p2 .LBB2_10-.Ltmp6, $4  }
0x84: {  	s16 =	sshll.u32 s15, $0x4;
	s13 =	sshra.s32 s13, $0x2;
	[tilespmem:s12+$0x12420] =	vst v4;
	v6 =	vld [tilespmem:s10+$0xE450]  }
0x85: {  	[tilespmem:s0+$0x10] =	vst v8;
	v7 =	vld [tilespmem:s10+$0xE460];
	s10 =	sadd.s32 s16, s13  }
0x86: {  	s11 =	sadd.s32 $0x80, s11;
	v3 =	vld [tilespmem:s10+$0xE470];
	[tilespmem:s0+$0x20] =	vst v9  }
0x87: {  	s15 =	sshll.u32 s15, $0x7;
	s12 =	sand.u32 $0x3000, s11;
	s13 =	sshll.u32 s8, $0x2;
	v4 =	vld [tilespmem:s10+$0xE400];
	[tilespmem:s0+$0x30] =	vst v10  }
0x88: {  	s11 =	smov.u32 s10  }
.LBB2_12:
0x89: {  	s8 =	sand.u32 $0x380, s13;
	s10 =	sor.u32 s15, s12;
	v8 =	vld [tilespmem:s11+$0xE410];
	[tilespmem:s0+$0x40] =	vst @p1 v5  }
0x8a: {  	v60 =	vld [tilespmem:s11+$0xE420];
	[tilespmem:s0+$0x50] =	vst @p1 v6;
	s8 =	sor.u32 s8, s10  }
0x8b: {  	v61 =	vld [tilespmem:s11+$0xE430];
	[tilespmem:s0+$0x60] =	vst @p1 v7;
	s10 =	sadd.s32 $0x12420, s8  }
0x8c: {  	v62 =	vld [tilespmem:s11+$0xE440];
	[tilespmem:s10+$0x70] =	vst v3  }
0x8d: {  	v63 =	vld [tilespmem:s11+$0xE460];
	[tilespmem:s8+$0x12420] =	vst v4  }
0x8e: {  	s17 =	sadd.s32 s5, s7;
	v3 =	vld [tilespmem:s11+$0xE450];
	[tilespmem:s10+$0x10] =	vst v8  }
0x8f: {  	s7 =	sshll.u32 s17, $0xC;
	s0 =	sshll.u32 s17, $0xE;
	[tilespmem:s10+$0x20] =	vst v60  }
0x90: {  	s7 =	sand.u32 $0x6000, s7;
	s18 =	sand.u32 $0x7FFE0000, s0;
	[tilespmem:s10+$0x30] =	vst v61  }
0x91: {  	s8 =	sor.u32 s7, s18;
	[tilespmem:s10+$0x40] =	vst v62  }
0x92: {  	s8 =	sshrl.u32 s8, $0x3;
	[tilespmem:s10+$0x60] =	vst v63  }
0x93: {  	s19 =	simm.s32 $0x12420;
	s23 =	simm.s32 $0x13420;
	s8 =	sadd.s32 s2, s8;
	[tilespmem:s10+$0x50] =	vst v3  }
0x94: {  	[hbm4b:s8+s3] =	stream.linear.scatter [tilespmem:s19], [sflag:$0x3], $0x1000, $0x38;
	[tilespmem:$0x1A420] =	vst v63  }
0x95: {  	p1 =	sne.s32 s14, $0x18;
	s0 =	sor.u32 s7, s0;
	s22 =	sadd.s32 $0x1000, s8  }
0x96: {  	[hbm4b:s22+s3] =	stream.linear.scatter [tilespmem:s23], [sflag:$0x3], $0x1000, $0x38;
	[tilespmem:$0x1A420] =	vst v63  }
.Ltmp7:
0x97: {  	s0 =	sshrl.u32 s0, $0x3;
	(pc) =	sbr.rel @p1 .LBB2_14-.Ltmp7, $4  }
0x98: {  	s24 =	simm.s32 $0x14420;
	s0 =	sor.u32 $0x3000, s0;
	s8 =	sadd.s32 $0x2000, s8  }
0x99: {  	[hbm4b:s8+s3] =	stream.linear.scatter [tilespmem:s24], [sflag:$0x3], $0x1000, $0x38;
	[tilespmem:$0x1A420] =	vst v63  }
0x9a: {  	s0 =	sadd.s32 s2, s0  }
0x9b: {  	[hbm4b:s0+s3] =	stream.linear.scatter [tilespmem:s25], [sflag:$0x3], $0x1000, $0x38;
	[tilespmem:$0x1A420] =	vst v63  }
.Ltmp8:
0x9c: {  	(pc) =	sbr.rel .LBB2_15-.Ltmp8, $4  }
0x9d: {  	_ = 	snop  }
0x9e: {  	_ =	swait.ge [sflag:s26], $0x4000  }
0x9f: {  	[sflag:s26] =	ssyncset.done $0x0  }
0xa0: {  	[sflag:s26] =	ssyncadd.s32 $0xFFFFC000  }
.LBB2_14:
0xa1: {  	s0 =	sshll.u32 s14, $0xA  }
0xa2: {  	s0 =	sand.u32 $0x3FFFFC00, s0  }
0xa3: {  	s8 =	simm.s32 $0x6400;
	s7 =	sadd.s32 $0x400, s0  }
0xa4: {  	[tilespmem:s8], [sflag:$0x1] =	stream.indirect.gather [hbm4b:s4+s9], $0x20, s7, s9, $0xb8;
	[tilespmem:$0x1A420] =	vst v63  }
0xa5: {  	s19 =	simm.s32 $0x7400;
	s18 =	sadd.s32 $0x480, s0  }
0xa6: {  	[tilespmem:s19], [sflag:$0x1] =	stream.indirect.gather [hbm4b:s4+s9], $0x20, s18, s9, $0xb8;
	[tilespmem:$0x1A420] =	vst v63  }
0xa7: {  	s23 =	simm.s32 $0x8400;
	s22 =	sadd.s32 $0x500, s0  }
0xa8: {  	[tilespmem:s23], [sflag:$0x1] =	stream.indirect.gather [hbm4b:s4+s9], $0x20, s22, s9, $0xb8;
	[tilespmem:$0x1A420] =	vst v63  }
.Ltmp9:
0xa9: {  	s24 =	simm.s32 $0x9400;
	s0 =	sadd.s32 $0x580, s0;
	(pc) =	sbr.rel @p0 .LBB2_16-.Ltmp9, $4  }
0xaa: {  	[tilespmem:s24], [sflag:$0x1] =	stream.indirect.gather [hbm4b:s4+s9], $0x20, s0, s9, $0xb8;
	[tilespmem:$0x1A420] =	vst v63  }
0xab: {  	_ =	swait.ge [sflag:s26], $0x4000  }
0xac: {  	[sflag:s26] =	ssyncset.done $0x0  }
0xad: {  	[sflag:s26] =	ssyncadd.s32 $0xFFFFC000  }
.LBB2_15:
0xae: {  	_ =	swait.ge [sflag:s28], $0x4000  }
0xaf: {  	[sflag:s28] =	ssyncset.done $0x0  }
0xb0: {  	[sflag:s28] =	ssyncadd.s32 $0xFFFFC000  }
.LBB2_16:
0xb1: {  	s7 =	simm.s32 $0xA480  }
0xb2: {  	v3 =	vld [tilespmem:s7+$0x60]  }
0xb3: {  	s0 =	simm.s32 $0x7;
	v6 =	vld [tilespmem:s7+$0xFFFFFFA0]  }
0xb4: {  	s8 =	simm.s32 $0x1;
	v10 =	vld [tilespmem:s7+$0xFFFFFFC0];
	v11 =	vadd.s32 s0, v0  }
0xb5: {  	s12 =	simm.s32 $0x2;
	v12 =	vadd.s32 s8, v0;
	v14 =	vld [tilespmem:s7+$0xFFFFFFE0]  }
0xb6: {  	s13 =	simm.s32 $0x3;
	v5 =	vld [tilespmem:s7+$0x0];
	v7 =	vadd.s32 s12, v0  }
0xb7: {  	s11 =	simm.s32 $0x4;
	v4 =	vld [tilespmem:s7+$0x20];
	v8 =	vadd.s32 s13, v0;
	v15 =	vmul.f32 $5.656854150e+00, v3  }
0xb8: {  	s10 =	simm.s32 $0x0;
	s16 =	simm.s32 $0x5;
	v9 =	vld [tilespmem:s7+$0x40];
	v16 =	vmul.f32 $5.656854150e+00, v6;
	v6 =	vadd.s32 s11, v0  }
0xb9: {  	s14 =	sadd.s32 $0x1, s14;
	s15 =	simm.s32 $0x6;
	s17 =	simm.s32 $0xA580;
	v17 =	vadd.s32 s10, v0;
	v3 =	vld [tilespmem:s7+$0xFFFFFF80];
	v13 =	vmul.f32 $5.656854150e+00, v10;
	v10 =	vadd.s32 s16, v0;
	[tilespmem:v11+s21+$0x0] =	vst.idx.msk $0xffff, v15  }
0xba: {  	s19 =	simm.s32 $0x10;
	s18 =	simm.s32 $0x8;
	s7 =	simm.s32 $0x8;
	v14 =	vmul.f32 $5.656854150e+00, v14;
	v11 =	vld [tilespmem:s17+$0x60];
	v15 =	vand.u32 $0x3FF8, v17;
	[tilespmem:v12+s21+$0x0] =	vst.idx.msk $0xffff, v16;
	v12 =	vadd.s32 s15, v0  }
.LBB2_17:
0xbb: {  	p0 =	slt.u32 s19, $0x1F8;
	v16 =	vld [tilespmem:s17+$0xFFFFFFA0];
	s22 =	sadd.s32 $0x7, s18;
	v15 =	vor.u32 v1, v15;
	[tilespmem:v7+s21+$0x0] =	vst.idx.msk $0xffff, v13;
	v5 =	vmul.f32 $5.656854150e+00, v5  }
0xbc: {  	s23 =	sadd.s32 $0x1, s18;
	v13 =	vld [tilespmem:s17+$0xFFFFFFC0];
	v17 =	vadd.s32 s22, v0;
	[tilespmem:v8+s21+$0x0] =	vst.idx.msk $0xffff, v14;
	v4 =	vmul.f32 $5.656854150e+00, v4  }
0xbd: {  	v14 =	vadd.s32 s23, v0;
	s22 =	sadd.s32 $0x2, s18;
	v18 =	vld [tilespmem:s17+$0xFFFFFFE0];
	[tilespmem:v6+s21+$0x0] =	vst.idx.msk $0xffff, v5;
	v6 =	vmul.f32 $5.656854150e+00, v9  }
.Ltmp10:
0xbe: {  	v7 =	vadd.s32 s22, v0;
	s22 =	sadd.s32 $0x3, s18;
	v5 =	vld [tilespmem:s17+$0x0];
	v3 =	vmul.f32 $5.656854150e+00, v3;
	[tilespmem:v10+s21+$0x0] =	vst.idx.msk $0xffff, v4;
	(pc) =	sbr.rel @p0 .LBB2_17-.Ltmp10, $4  }
0xbf: {  	v8 =	vadd.s32 s22, v0;
	s22 =	sadd.s32 $0x4, s18;
	v4 =	vld [tilespmem:s17+$0x20];
	v11 =	vmul.f32 $5.656854150e+00, v11;
	[tilespmem:v12+s21+$0x0] =	vst.idx.msk $0xffff, v6  }
0xc0: {  	v6 =	vadd.s32 s22, v0;
	s22 =	sadd.s32 $0x5, s18;
	v12 =	vmul.f32 $5.656854150e+00, v16;
	v9 =	vld [tilespmem:s17+$0x40];
	[tilespmem:v15+s21+$0x0] =	vst.idx.msk $0xffff, v3  }
0xc1: {  	v15 =	vadd.s32 s18, v0;
	v10 =	vadd.s32 s22, v0;
	s18 =	sadd.s32 $0x6, s18;
	v3 =	vld [tilespmem:s17+$0xFFFFFF80];
	v13 =	vmul.f32 $5.656854150e+00, v13;
	[tilespmem:v17+s21+$0x0] =	vst.idx.msk $0xffff, v11;
	s17 =	sadd.s32 $0x100, s17  }
0xc2: {  	v15 =	vand.u32 $0x3FF8, v15;
	v11 =	vld [tilespmem:s17+$0x60];
	[tilespmem:v14+s21+$0x0] =	vst.idx.msk $0xffff, v12;
	v14 =	vmul.f32 $5.656854150e+00, v18;
	v12 =	vadd.s32 s18, v0;
	s18 =	smov.u32 s19;
	s19 =	sadd.s32 $0x8, s19  }
0xc3: {  	_ =	sdelay $0x3  }
0xc4: {  	v16 =	vld [tilespmem:s17+$0xFFFFFFA0];
	s19 =	sadd.s32 $0x7, s18;
	v15 =	vor.u32 v1, v15;
	[tilespmem:v7+s21+$0x0] =	vst.idx.msk $0xffff, v13;
	v5 =	vmul.f32 $5.656854150e+00, v5  }
0xc5: {  	s22 =	sadd.s32 $0x1, s18;
	v7 =	vld [tilespmem:s17+$0xFFFFFFC0];
	v13 =	vadd.s32 s19, v0;
	[tilespmem:v8+s21+$0x0] =	vst.idx.msk $0xffff, v14;
	v4 =	vmul.f32 $5.656854150e+00, v4  }
0xc6: {  	v8 =	vadd.s32 s22, v0;
	s22 =	sadd.s32 $0x2, s18;
	v14 =	vld [tilespmem:s17+$0xFFFFFFE0];
	[tilespmem:v6+s21+$0x0] =	vst.idx.msk $0xffff, v5;
	v5 =	vmul.f32 $5.656854150e+00, v9  }
0xc7: {  	s23 =	sadd.s32 $0x3, s18;
	v6 =	vadd.s32 s22, v0;
	v9 =	vld [tilespmem:s17+$0x0];
	v3 =	vmul.f32 $5.656854150e+00, v3;
	[tilespmem:v10+s21+$0x0] =	vst.idx.msk $0xffff, v4  }
0xc8: {  	s24 =	sadd.s32 $0x4, s18;
	v4 =	vadd.s32 s23, v0;
	v10 =	vld [tilespmem:s17+$0x20];
	v11 =	vmul.f32 $5.656854150e+00, v11;
	[tilespmem:v12+s21+$0x0] =	vst.idx.msk $0xffff, v5  }
0xc9: {  	s22 =	sadd.s32 $0x5, s18;
	v12 =	vadd.s32 s24, v0;
	v5 =	vmul.f32 $5.656854150e+00, v16;
	v16 =	vld [tilespmem:s17+$0x40];
	[tilespmem:v15+s21+$0x0] =	vst.idx.msk $0xffff, v3  }
0xca: {  	v17 =	vadd.s32 s22, v0;
	s23 =	sadd.s32 $0x6, s18;
	v3 =	vld [tilespmem:s17+$0xFFFFFF80];
	v15 =	vadd.s32 s18, v0;
	v7 =	vmul.f32 $5.656854150e+00, v7;
	[tilespmem:v13+s21+$0x0] =	vst.idx.msk $0xffff, v11  }
0xcb: {  	v11 =	vand.u32 $0x3FF8, v15;
	[tilespmem:v8+s21+$0x0] =	vst.idx.msk $0xffff, v5;
	v5 =	vmul.f32 $5.656854150e+00, v14;
	v8 =	vadd.s32 s23, v0  }
0xcc: {  	v11 =	vor.u32 v1, v11;
	[tilespmem:v6+s21+$0x0] =	vst.idx.msk $0xffff, v7;
	v6 =	vmul.f32 $5.656854150e+00, v9  }
0xcd: {  	[tilespmem:v4+s21+$0x0] =	vst.idx.msk $0xffff, v5;
	v4 =	vmul.f32 $5.656854150e+00, v10  }
0xce: {  	[tilespmem:v12+s21+$0x0] =	vst.idx.msk $0xffff, v6;
	v5 =	vmul.f32 $5.656854150e+00, v16  }
0xcf: {  	v3 =	vmul.f32 $5.656854150e+00, v3;
	[tilespmem:v17+s21+$0x0] =	vst.idx.msk $0xffff, v4  }
0xd0: {  	[tilespmem:v8+s21+$0x0] =	vst.idx.msk $0xffff, v5  }
0xd1: {  	s24 =	simm.s32 $0xA490;
	[tilespmem:v11+s21+$0x0] =	vst.idx.msk $0xffff, v3  }
0xd2: {  	v3 =	vld [tilespmem:s24+$0x60]  }
0xd3: {  	v4 =	vld [tilespmem:s24+$0xFFFFFFA0]  }
0xd4: {  	v12 =	vadd.s32 s0, v2;
	v7 =	vld [tilespmem:s24+$0xFFFFFFC0]  }
0xd5: {  	v14 =	vadd.s32 s8, v2;
	v16 =	vld [tilespmem:s24+$0xFFFFFFE0]  }
0xd6: {  	v11 =	vadd.s32 s12, v2;
	v10 =	vld [tilespmem:s24+$0x0]  }
0xd7: {  	v9 =	vadd.s32 s13, v2;
	v5 =	vld [tilespmem:s24+$0x20];
	v15 =	vmul.f32 $5.656854150e+00, v3  }
0xd8: {  	v6 =	vadd.s32 s11, v2;
	v8 =	vld [tilespmem:s24+$0x40];
	v17 =	vmul.f32 $5.656854150e+00, v4  }
0xd9: {  	v18 =	vadd.s32 s10, v2;
	s0 =	simm.s32 $0xA590;
	v3 =	vld [tilespmem:s24+$0xFFFFFF80];
	v13 =	vmul.f32 $5.656854150e+00, v7;
	v7 =	vadd.s32 s16, v2;
	[tilespmem:v12+s21+$0x0] =	vst.idx.msk $0xffff, v15  }
0xda: {  	s8 =	simm.s32 $0x10;
	v4 =	vld [tilespmem:s0+$0x60];
	v15 =	vand.u32 $0x7FF8, v18;
	[tilespmem:v14+s21+$0x0] =	vst.idx.msk $0xffff, v17;
	v14 =	vmul.f32 $5.656854150e+00, v16;
	v12 =	vadd.s32 s15, v2  }
.LBB2_19:
0xdb: {  	p0 =	slt.u32 s8, $0x1F8;
	v16 =	vld [tilespmem:s0+$0xFFFFFFA0];
	s10 =	sadd.s32 $0x7, s7;
	v15 =	vor.u32 v1, v15;
	[tilespmem:v11+s21+$0x0] =	vst.idx.msk $0xffff, v13;
	v10 =	vmul.f32 $5.656854150e+00, v10  }
0xdc: {  	s11 =	sadd.s32 $0x1, s7;
	v13 =	vld [tilespmem:s0+$0xFFFFFFC0];
	v17 =	vadd.s32 s10, v2;
	[tilespmem:v9+s21+$0x0] =	vst.idx.msk $0xffff, v14;
	v5 =	vmul.f32 $5.656854150e+00, v5  }
0xdd: {  	v14 =	vadd.s32 s11, v2;
	s10 =	sadd.s32 $0x2, s7;
	v18 =	vld [tilespmem:s0+$0xFFFFFFE0];
	[tilespmem:v6+s21+$0x0] =	vst.idx.msk $0xffff, v10;
	v6 =	vmul.f32 $5.656854150e+00, v8  }
.Ltmp11:
0xde: {  	v11 =	vadd.s32 s10, v2;
	s10 =	sadd.s32 $0x3, s7;
	v10 =	vld [tilespmem:s0+$0x0];
	v3 =	vmul.f32 $5.656854150e+00, v3;
	[tilespmem:v7+s21+$0x0] =	vst.idx.msk $0xffff, v5;
	(pc) =	sbr.rel @p0 .LBB2_19-.Ltmp11, $4  }
0xdf: {  	v9 =	vadd.s32 s10, v2;
	s10 =	sadd.s32 $0x4, s7;
	v5 =	vld [tilespmem:s0+$0x20];
	v4 =	vmul.f32 $5.656854150e+00, v4;
	[tilespmem:v12+s21+$0x0] =	vst.idx.msk $0xffff, v6  }
0xe0: {  	v6 =	vadd.s32 s10, v2;
	s10 =	sadd.s32 $0x5, s7;
	v12 =	vmul.f32 $5.656854150e+00, v16;
	v8 =	vld [tilespmem:s0+$0x40];
	[tilespmem:v15+s21+$0x0] =	vst.idx.msk $0xffff, v3  }
0xe1: {  	v15 =	vadd.s32 s7, v2;
	v7 =	vadd.s32 s10, v2;
	s7 =	sadd.s32 $0x6, s7;
	v3 =	vld [tilespmem:s0+$0xFFFFFF80];
	v13 =	vmul.f32 $5.656854150e+00, v13;
	[tilespmem:v17+s21+$0x0] =	vst.idx.msk $0xffff, v4;
	s0 =	sadd.s32 $0x100, s0  }
0xe2: {  	v15 =	vand.u32 $0x7FF8, v15;
	v4 =	vld [tilespmem:s0+$0x60];
	[tilespmem:v14+s21+$0x0] =	vst.idx.msk $0xffff, v12;
	v14 =	vmul.f32 $5.656854150e+00, v18;
	v12 =	vadd.s32 s7, v2;
	s7 =	smov.u32 s8;
	s8 =	sadd.s32 $0x8, s8  }
0xe3: {  	_ =	sdelay $0x3  }
0xe4: {  	v16 =	vld [tilespmem:s0+$0xFFFFFFA0];
	s8 =	sadd.s32 $0x7, s7;
	v15 =	vor.u32 v1, v15;
	[tilespmem:v11+s21+$0x0] =	vst.idx.msk $0xffff, v13;
	v10 =	vmul.f32 $5.656854150e+00, v10  }
0xe5: {  	s10 =	sadd.s32 $0x1, s7;
	v53 =	vld [tilespmem:s0+$0xFFFFFFC0];
	v54 =	vadd.s32 s8, v2;
	[tilespmem:v9+s21+$0x0] =	vst.idx.msk $0xffff, v14;
	v5 =	vmul.f32 $5.656854150e+00, v5  }
0xe6: {  	s15 =	sadd.s32 $0x2, s7;
	v56 =	vld [tilespmem:s0+$0xFFFFFFE0];
	v55 =	vadd.s32 s10, v2;
	[tilespmem:v6+s21+$0x0] =	vst.idx.msk $0xffff, v10;
	v6 =	vmul.f32 $5.656854150e+00, v8  }
0xe7: {  	s16 =	sadd.s32 $0x3, s7;
	v58 =	vld [tilespmem:s0+$0x0];
	v57 =	vadd.s32 s15, v2;
	v3 =	vmul.f32 $5.656854150e+00, v3;
	[tilespmem:v7+s21+$0x0] =	vst.idx.msk $0xffff, v5  }
0xe8: {  	s17 =	sadd.s32 $0x4, s7;
	v5 =	vadd.s32 s16, v2;
	v7 =	vld [tilespmem:s0+$0x20];
	v4 =	vmul.f32 $5.656854150e+00, v4;
	[tilespmem:v12+s21+$0x0] =	vst.idx.msk $0xffff, v6  }
0xe9: {  	s18 =	sadd.s32 $0x5, s7;
	v60 =	vld [tilespmem:s0+$0x40];
	v59 =	vadd.s32 s17, v2;
	v6 =	vmul.f32 $5.656854150e+00, v16;
	[tilespmem:v15+s21+$0x0] =	vst.idx.msk $0xffff, v3  }
0xea: {  	v61 =	vadd.s32 s7, v2;
	s19 =	sadd.s32 $0x6, s7;
	v17 =	vadd.s32 s18, v2;
	v3 =	vld [tilespmem:s0+$0xFFFFFF80];
	v11 =	vmul.f32 $5.656854150e+00, v53;
	[tilespmem:v54+s21+$0x0] =	vst.idx.msk $0xffff, v4  }
0xeb: {  	v62 =	vadd.s32 s19, v2;
	v4 =	vand.u32 $0x7FF8, v61;
	[tilespmem:v55+s21+$0x0] =	vst.idx.msk $0xffff, v6;
	v6 =	vmul.f32 $5.656854150e+00, v56  }
0xec: {  	v63 =	vmul.f32 $5.656854150e+00, v58;
	v4 =	vor.u32 v1, v4;
	[tilespmem:v57+s21+$0x0] =	vst.idx.msk $0xffff, v11  }
0xed: {  	s22 =	simm.s32 $0x0;
	[tilespmem:v5+s21+$0x0] =	vst.idx.msk $0xffff, v6;
	v5 =	vmul.f32 $5.656854150e+00, v7  }
0xee: {  	s23 =	simm.s32 $0x0;
	p1 =	por $0x1, $0x1;
	s0 =	smul.u32 $0x804, s22;
	[tilespmem:v59+s21+$0x0] =	vst.idx.msk $0xffff, v63;
	v6 =	vmul.f32 $5.656854150e+00, v60  }
.Ltmp12:
0xef: {  	s7 =	sand.u32 $0x18, s23;
	v3 =	vmul.f32 $5.656854150e+00, v3;
	[tilespmem:v17+s21+$0x0] =	vst.idx.msk $0xffff, v5;
	(pc) =	sbr.rel @!p1 .LBB2_21-.Ltmp12, $4  }
0xf0: {  	s24 =	sshll.u32 s7, $0x4;
	s0 =	sshra.s32 s0, $0x2;
	[tilespmem:v62+s21+$0x0] =	vst.idx.msk $0xffff, v6  }
0xf1: {  	s10 =	sadd.s32 s24, s0;
	[tilespmem:v4+s21+$0x0] =	vst.idx.msk $0xffff, v3  }
0xf2: {  	s11 =	simm.s32 $0x0;
	s12 =	simm.s32 $0x0;
	v3 =	vld [tilespmem:s10+$0xE470]  }
0xf3: {  	p0 =	por $0x0, $0x0;
	s11 =	sand.u32 $0x3000, s11;
	s13 =	sshll.u32 s7, $0x7;
	v4 =	vld [tilespmem:s10+$0xE400]  }
0xf4: {  	s0 =	sand.u32 $0x380, s12;
	s7 =	sor.u32 s13, s11;
	v7 =	vld [tilespmem:s10+$0xE410]  }
0xf5: {  	s8 =	simm.s32 $0x0;
	v8 =	vld [tilespmem:s10+$0xE420];
	p1 =	por $0x1, $0x1;
	s11 =	sor.u32 s0, s7  }
0xf6: {  	v9 =	vld [tilespmem:s10+$0xE430];
	s7 =	simm.s32 $0x8;
	s8 =	smul.u32 $0x804, s8;
	s0 =	sadd.s32 $0x16420, s11  }
.Ltmp13:
0xf7: {  	v5 =	vld [tilespmem:s10+$0xE440];
	s23 =	sand.u32 $0x18, s7;
	[tilespmem:s0+$0x70] =	vst v3;
	(pc) =	sbr.rel @!p1 .LBB2_23-.Ltmp13, $4  }
0xf8: {  	v6 =	vld [tilespmem:s10+$0xE450];
	s8 =	sshra.s32 s8, $0x2;
	s24 =	sshll.u32 s23, $0x4;
	[tilespmem:s11+$0x16420] =	vst v4  }
0xf9: {  	s8 =	sadd.s32 s24, s8;
	[tilespmem:s0+$0x10] =	vst v7;
	v7 =	vld [tilespmem:s10+$0xE460]  }
0xfa: {  	s12 =	simm.s32 $0x20;
	s10 =	simm.s32 $0x80;
	v3 =	vld [tilespmem:s8+$0xE470];
	[tilespmem:s0+$0x20] =	vst v8  }
0xfb: {  	p0 =	por $0x1, $0x1;
	s13 =	sshll.u32 s23, $0x7;
	v4 =	vld [tilespmem:s8+$0xE400];
	[tilespmem:s0+$0x30] =	vst v9;
	s11 =	sand.u32 $0x3000, s10  }
.LBB2_24:
0xfc: {  	s7 =	sadd.s32 $0x8, s7;
	s12 =	sand.u32 $0x380, s12;
	s11 =	sor.u32 s13, s11;
	v8 =	vld [tilespmem:s8+$0xE410];
	[tilespmem:s0+$0x40] =	vst v5  }
0xfd: {  	s13 =	sshrl.u32 s7, $0x5;
	p1 =	slt.u32 s7, $0x3F8;
	s11 =	sor.u32 s12, s11;
	v9 =	vld [tilespmem:s8+$0xE420];
	[tilespmem:s0+$0x50] =	vst v6  }
0xfe: {  	s12 =	smul.u32 $0x804, s13;
	v10 =	vld [tilespmem:s8+$0xE430];
	[tilespmem:s0+$0x60] =	vst v7;
	s0 =	sadd.s32 $0x16420, s11  }
.Ltmp14:
0xff: {  	s13 =	sand.u32 $0x18, s7;
	v5 =	vld [tilespmem:s8+$0xE440];
	[tilespmem:s0+$0x70] =	vst v3;
	(pc) =	sbr.rel @p1 .LBB2_24-.Ltmp14, $4  }
0x100: {  	s15 =	sshll.u32 s13, $0x4;
	s12 =	sshra.s32 s12, $0x2;
	[tilespmem:s11+$0x16420] =	vst v4;
	v6 =	vld [tilespmem:s8+$0xE450]  }
0x101: {  	[tilespmem:s0+$0x10] =	vst v8;
	v7 =	vld [tilespmem:s8+$0xE460];
	s8 =	sadd.s32 s15, s12  }
0x102: {  	s10 =	sadd.s32 $0x80, s10;
	v3 =	vld [tilespmem:s8+$0xE470];
	[tilespmem:s0+$0x20] =	vst v9  }
0x103: {  	s13 =	sshll.u32 s13, $0x7;
	s11 =	sand.u32 $0x3000, s10;
	s12 =	sshll.u32 s7, $0x2;
	v4 =	vld [tilespmem:s8+$0xE400];
	[tilespmem:s0+$0x30] =	vst v10  }
0x104: {  	s10 =	smov.u32 s8  }
.LBB2_26:
0x105: {  	s7 =	sand.u32 $0x380, s12;
	s8 =	sor.u32 s13, s11;
	v8 =	vld [tilespmem:s10+$0xE410];
	[tilespmem:s0+$0x40] =	vst @p0 v5  }
0x106: {  	v60 =	vld [tilespmem:s10+$0xE420];
	[tilespmem:s0+$0x50] =	vst @p0 v6;
	s7 =	sor.u32 s7, s8  }
0x107: {  	v61 =	vld [tilespmem:s10+$0xE430];
	[tilespmem:s0+$0x60] =	vst @p0 v7;
	s8 =	sadd.s32 $0x16420, s7  }
0x108: {  	v62 =	vld [tilespmem:s10+$0xE440];
	[tilespmem:s8+$0x70] =	vst v3  }
0x109: {  	v63 =	vld [tilespmem:s10+$0xE460];
	[tilespmem:s7+$0x16420] =	vst v4  }
0x10a: {  	s22 =	sadd.s32 s5, s6;
	v3 =	vld [tilespmem:s10+$0xE450];
	[tilespmem:s8+$0x10] =	vst v8  }
0x10b: {  	s6 =	sshll.u32 s22, $0xC;
	s0 =	sshll.u32 s22, $0xE;
	[tilespmem:s8+$0x20] =	vst v60  }
0x10c: {  	s6 =	sand.u32 $0x7000, s6;
	s0 =	sand.u32 $0x7FFE0000, s0;
	[tilespmem:s8+$0x30] =	vst v61  }
0x10d: {  	s0 =	sor.u32 s6, s0;
	[tilespmem:s8+$0x40] =	vst v62  }
0x10e: {  	s0 =	sshrl.u32 s0, $0x3;
	[tilespmem:s8+$0x60] =	vst v63  }
0x10f: {  	s0 =	sadd.s32 s2, s0;
	[tilespmem:s8+$0x50] =	vst v3  }
0x110: {  	[hbm4b:s0+s3] =	stream.linear.scatter [tilespmem:s29], [sflag:$0x4], $0x1000, $0x38;
	[tilespmem:$0x1A420] =	vst v63  }
0x111: {  	p0 =	sne.s32 s14, $0x19;
	s23 =	sadd.s32 $0x1000, s0  }
0x112: {  	[hbm4b:s23+s3] =	stream.linear.scatter [tilespmem:s30], [sflag:$0x4], $0x1000, $0x38;
	[tilespmem:$0x1A420] =	vst v63  }
.Ltmp15:
0x113: {  	_ = 	snop;
	(pc) =	sbr.rel @p0 .LBB2_2-.Ltmp15, $4  }
.Ltmp16:
0x114: {  	s24 =	sadd.s32 $0x2000, s0;
	(pc) =	sbr.rel @!p0 .LBB2_27-.Ltmp16, $4  }
0x115: {  	[hbm4b:s24+s3] =	stream.linear.scatter [tilespmem:s31], [sflag:$0x4], $0x1000, $0x38;
	[tilespmem:$0x1A420] =	vst v63  }
0x116: {  	s0 =	sadd.s32 $0x3000, s0  }
0x117: {  	[hbm4b:s0+s3] =	stream.linear.scatter [tilespmem:s1], [sflag:$0x4], $0x1000, $0x38;
	[tilespmem:$0x1A420] =	vst v63  }
0x118: {  	_ = 	snop  }
.LBB2_7:
.Ltmp17:
0x119: {  	(pc) =	sbr.rel .LBB2_12-.Ltmp17, $2  }
0x11a: {  	_ =	sdelay $0x2  }
0x11b: {  	_ = 	snop  }
.LBB2_21:
.Ltmp18:
0x11c: {  	(pc) =	sbr.rel .LBB2_26-.Ltmp18, $2  }
0x11d: {  	_ =	sdelay $0x2  }
0x11e: {  	_ = 	snop  }
.LBB2_9:
.Ltmp19:
0x11f: {  	(pc) =	sbr.rel .LBB2_12-.Ltmp19, $2  }
0x120: {  	_ =	sdelay $0x2  }
0x121: {  	s11 =	smov.u32 s10  }
.LBB2_23:
.Ltmp20:
0x122: {  	(pc) =	sbr.rel .LBB2_26-.Ltmp20, $2  }
0x123: {  	_ =	sdelay $0x2  }
0x124: {  	s10 =	smov.u32 s8  }
.LBB2_28:
0x125: {  	_ =	sfence.sel $0x180000  }
0x126: {  	[bflag:$0x0] =	sbarrier.arrive $0xFFFF  }
0x127: {  	_ =	strace $0x90000047  }
0x128: {  	s0 =	stileid.u32;
	[bflag:$0x2] =	sbarrier.arrive $0xFFFF  }
0x129: {  	p0 =	sne.s32 s0, $0x0;
	s0 =	rddreg [dreg:$0x2]  }
0x12a: {  	s0 =	sadd.s32 @!p0 $0x100000, s0  }
0x12b: {  	[sflag:s0] =	ssyncadd.tile.s32 @!p0 $0x1;
	_ =	shalt  }
.Lfunc_end2:
_tile_overlayer_lowered:
.L_overlay_start_2:
0x12c: {  	(tag) =	ssettag $0x2  }
0x12d: {  	s0 =	rddreg [dreg:$0x0];
	s2 =	stileid.u32  }
0x12e: {  	s1 =	rddreg [dreg:$0x1];
	p0 =	sne.s32 s2, $0x0  }
0x12f: {  	s3 =	rddreg [dreg:$0x2];
	[bflag:$0x3] =	sbarrier.arrive $0xFFFF;
	s2 =	simm.s32 @!p0 $0x1C05  }
0x130: {  	[timem:s3], [sflag:s2] =	dma.local @!p0 [hbm:s0], s1  }
0x131: {  	s0 =	simm.s32 @!p0 $0x5  }
0x132: {  	_ =	swait.ge @!p0 [sflag:s0], s1  }
0x133: {  	s1 =	ssub.s32 @!p0 $0x0, s1;
	[sflag:s0] =	ssyncset.done @!p0 $0x0  }
0x134: {  	[sflag:s0] =	ssyncadd.s32 @!p0 s1  }
0x135: {  	[bflag:$0x3] =	sbarrier.arrive $0xFFFF  }
0x136: {  	_ =	shalt  }

</sc_bundles>
